<compile_context>
chip_gen: v7x
topology: tpu7x:2x2x1
jax: 0.10.2.dev20260603
libtpu: 0.0.44.dev20260713+nightly
codegen_flags: <defaults>
</compile_context>

<pallas_src>
import functools

import jax
import jax.numpy as jnp
import numpy as np
from jax import lax
from jax.experimental import pallas as pl
from jax.experimental.pallas import tpu as pltpu
from jax.experimental.pallas import tpu_sc as plsc

PRE_NMS_TOPN = 6000
POST_NMS_TOPN = 1000
NMS_THRESH = 0.7
IMG_SIZE = 512
BATCH = 4

CAND_PAD = 6016
KEEP_PAD = 1024
LANES = 16


def _gen_anchors():
    pyramid_levels = [3, 4, 5, 6, 7]
    ratios = np.array([0.5, 1.0, 2.0])
    scales = np.array([2 ** 0, 2 ** (1.0 / 3.0), 2 ** (2.0 / 3.0)])
    image_shape = np.array([IMG_SIZE, IMG_SIZE])
    all_anchors = np.zeros((0, 4), dtype=np.float64)
    for p in pyramid_levels:
        base_size = 2 ** (p + 2)
        stride = 2 ** p
        num_anchors = len(ratios) * len(scales)
        anchors = np.zeros((num_anchors, 4))
        anchors[:, 2:] = base_size * np.tile(scales, (2, len(ratios))).T
        areas = anchors[:, 2] * anchors[:, 3]
        anchors[:, 2] = np.sqrt(areas / np.repeat(ratios, len(scales)))
        anchors[:, 3] = anchors[:, 2] * np.repeat(ratios, len(scales))
        anchors[:, 0::2] -= np.tile(anchors[:, 2] * 0.5, (2, 1)).T
        anchors[:, 1::2] -= np.tile(anchors[:, 3] * 0.5, (2, 1)).T
        shape = (image_shape + stride - 1) // stride
        shift_x = (np.arange(0, shape[1]) + 0.5) * stride
        shift_y = (np.arange(0, shape[0]) + 0.5) * stride
        sx, sy = np.meshgrid(shift_x, shift_y)
        shifts = np.vstack((sx.ravel(), sy.ravel(), sx.ravel(), sy.ravel())).transpose()
        A = anchors.shape[0]
        K = shifts.shape[0]
        shifted = (anchors.reshape((1, A, 4)) + shifts.reshape((1, K, 4)).transpose((1, 0, 2))).reshape((K * A, 4))
        all_anchors = np.append(all_anchors, shifted, axis=0)
    return all_anchors.astype(np.float32)


_ANCHORS = _gen_anchors()


def _nms_body(planes, out_hbm,
              sa0, sa1, sa2, sa3, sd0, sd1, se2, se3,
              vx1, vy1, vx2, vy2, var,
              kx1, ky1, kx2, ky2, kar, c0):
    cid = lax.axis_index("c")
    sid = lax.axis_index("s")
    wid = sid * 2 + cid
    i = lax.rem(wid, BATCH)

    for k, dst in enumerate((sa0, sa1, sa2, sa3, sd0, sd1, se2, se3)):
        pltpu.sync_copy(
            planes.at[pl.ds((k * BATCH + i) * CAND_PAD, CAND_PAD)], dst)

    if True:

        def tbody(c, _):
            sl = pl.ds(c * LANES, LANES)
            w = sa2[sl] - sa0[sl]
            h = sa3[sl] - sa1[sl]
            cx = sa0[sl] + 0.5 * w
            cy = sa1[sl] + 0.5 * h
            pcx = cx + (sd0[sl] * 0.1) * w
            pcy = cy + (sd1[sl] * 0.1) * h
            pw = se2[sl] * w
            ph = se3[sl] * h
            x1 = jnp.minimum(jnp.maximum(pcx - 0.5 * pw, 0.0), float(IMG_SIZE))
            y1 = jnp.minimum(jnp.maximum(pcy - 0.5 * ph, 0.0), float(IMG_SIZE))
            x2 = jnp.minimum(jnp.maximum(pcx + 0.5 * pw, 0.0), float(IMG_SIZE))
            y2 = jnp.minimum(jnp.maximum(pcy + 0.5 * ph, 0.0), float(IMG_SIZE))
            vx1[sl] = x1
            vy1[sl] = y1
            vx2[sl] = x2
            vy2[sl] = y2
            var[sl] = (x2 - x1) * (y2 - y1)
            return 0

        lax.fori_loop(0, CAND_PAD // LANES, tbody, 0)

        ifl = lax.convert_element_type(i, jnp.float32)

        def zbody(c, _):
            sl = pl.ds(c * LANES, LANES)
            far = jnp.full((LANES,), 1e9, jnp.float32)
            kx1[sl] = far
            ky1[sl] = far
            kx2[sl] = far
            ky2[sl] = far
            kar[sl] = jnp.zeros((LANES,), jnp.float32)
            c0[sl] = jnp.full((LANES,), ifl, jnp.float32)
            return 0

        lax.fori_loop(0, KEEP_PAD // LANES, zbody, 0)

        lane = lax.iota(jnp.int32, LANES)
        wmask = lane == 0

        def body(j, cnt):
            jv = jnp.full((LANES,), j, jnp.int32)
            bx1 = plsc.load_gather(vx1, [jv])
            by1 = plsc.load_gather(vy1, [jv])
            bx2 = plsc.load_gather(vx2, [jv])
            by2 = plsc.load_gather(vy2, [jv])
            bar = plsc.load_gather(var, [jv])

            def _hits(off):
                sl = pl.ds(off, LANES)
                xx1 = jnp.maximum(kx1[sl], bx1)
                yy1 = jnp.maximum(ky1[sl], by1)
                xx2 = jnp.minimum(kx2[sl], bx2)
                yy2 = jnp.minimum(ky2[sl], by2)
                w = jnp.maximum(xx2 - xx1, 0.0)
                h = jnp.maximum(yy2 - yy1, 0.0)
                inter = w * h
                iou = inter / (kar[sl] + bar - inter + 1e-8)
                return iou > NMS_THRESH

            def ibody(c, supv):
                off = c * (2 * LANES)
                return supv | _hits(off) | _hits(off + LANES)

            active = cnt < POST_NMS_TOPN
            nch = jnp.where(active, (cnt + 2 * LANES - 1) // (2 * LANES),
                            jnp.int32(0))
            supv = lax.fori_loop(0, nch, ibody,
                                 jnp.zeros((LANES,), jnp.bool_))
            sup = jnp.any(supv)

            take = jnp.logical_and(jnp.logical_not(sup), active)
            smask = jnp.logical_and(wmask, jnp.full((LANES,), take))
            cv = jnp.full((LANES,), cnt, jnp.int32)
            plsc.store_scatter(kx1, [cv], bx1, mask=smask)
            plsc.store_scatter(ky1, [cv], by1, mask=smask)
            plsc.store_scatter(kx2, [cv], bx2, mask=smask)
            plsc.store_scatter(ky2, [cv], by2, mask=smask)
            plsc.store_scatter(kar, [cv], bar, mask=smask)

            return cnt + jnp.where(take, jnp.int32(1), jnp.int32(0))

        def bbody(b, cnt):
            nin = jnp.where(cnt < POST_NMS_TOPN, jnp.int32(LANES), jnp.int32(0))

            def cbody(t, c):
                return body(b * LANES + t, c)

            return lax.fori_loop(0, nin, cbody, cnt)

        cnt_f = lax.fori_loop(0, PRE_NMS_TOPN // LANES, bbody, jnp.int32(0))

        def fbody(c, _):
            sl = pl.ds(c * LANES, LANES)
            m = (c * LANES + lane) < cnt_f
            z = jnp.zeros((LANES,), jnp.float32)
            kx1[sl] = jnp.where(m, kx1[sl], z)
            ky1[sl] = jnp.where(m, ky1[sl], z)
            kx2[sl] = jnp.where(m, kx2[sl], z)
            ky2[sl] = jnp.where(m, ky2[sl], z)
            return 0

        lax.fori_loop(0, KEEP_PAD // LANES, fbody, 0)

        base = wid * 5 * KEEP_PAD
        pltpu.sync_copy(c0, out_hbm.at[pl.ds(base, KEEP_PAD)])
        pltpu.sync_copy(kx1, out_hbm.at[pl.ds(base + KEEP_PAD, KEEP_PAD)])
        pltpu.sync_copy(ky1, out_hbm.at[pl.ds(base + 2 * KEEP_PAD, KEEP_PAD)])
        pltpu.sync_copy(kx2, out_hbm.at[pl.ds(base + 3 * KEEP_PAD, KEEP_PAD)])
        pltpu.sync_copy(ky2, out_hbm.at[pl.ds(base + 4 * KEEP_PAD, KEEP_PAD)])


_nms_sc = functools.partial(
    pl.kernel,
    out_type=jax.ShapeDtypeStruct((32 * 5 * KEEP_PAD,), jnp.float32),
    mesh=plsc.VectorSubcoreMesh(core_axis_name="c", subcore_axis_name="s"),
    compiler_params=pltpu.CompilerParams(needs_layout_passes=False),
    scratch_types=(
        [pltpu.VMEM((CAND_PAD,), jnp.float32) for _ in range(8)]
        + [pltpu.VMEM((CAND_PAD,), jnp.float32) for _ in range(5)]
        + [pltpu.VMEM((KEEP_PAD,), jnp.float32) for _ in range(6)]
    ),
)(_nms_body)


NUM_ANCH = _ANCHORS.shape[0]
ANCH_PAD = 49152
N_SHARD = 16
SHARD = ANCH_PAD // N_SHARD
KSHARD = 512


def _topk_sharded(sc):
    scp = jnp.pad(sc, ((0, 0), (0, ANCH_PAD - NUM_ANCH)),
                  constant_values=-1.0)
    sh = scp.reshape(BATCH, N_SHARD, SHARD)
    v1, i1 = lax.top_k(sh, KSHARD)
    gidx = i1 + (jnp.arange(N_SHARD, dtype=jnp.int32) * SHARD)[None, :, None]
    vm = v1.reshape(BATCH, N_SHARD * KSHARD)
    im = gidx.reshape(BATCH, N_SHARD * KSHARD)
    v2, i2 = lax.top_k(vm, PRE_NMS_TOPN)
    idx = jnp.take_along_axis(im, i2, axis=1)
    tau = v2[:, PRE_NMS_TOPN - 1]
    safe = jnp.all(v1[:, :, KSHARD - 1] < tau[:, None])
    return lax.cond(safe, lambda: idx,
                    lambda: lax.top_k(sc, PRE_NMS_TOPN)[1])


def kernel(scores, bbox_deltas, im_info):
    del im_info
    sc = scores[:, :, 0]
    idx = _topk_sharded(sc)

    anchors = jnp.asarray(_ANCHORS)
    anc = anchors[idx]
    dg = jnp.take_along_axis(bbox_deltas, idx[:, :, None], axis=1)
    pad3 = ((0, 0), (0, CAND_PAD - PRE_NMS_TOPN), (0, 0))
    anc = jnp.pad(anc, pad3)
    dg = jnp.pad(dg, pad3)
    planes = jnp.stack(
        [anc[:, :, 0], anc[:, :, 1], anc[:, :, 2], anc[:, :, 3],
         dg[:, :, 0], dg[:, :, 1],
         jnp.exp(dg[:, :, 2] * 0.2), jnp.exp(dg[:, :, 3] * 0.2)],
        axis=0).reshape(-1)

    out = _nms_sc(planes)
    out = out.reshape(32, 5, KEEP_PAD)[:BATCH]
    return jnp.transpose(out, (0, 2, 1))[:, :POST_NMS_TOPN, :]

# --- scband reference (transcript-rebuilt; emitter-appended) ---
"""Pipeline reference for scband-proposal-layer-fpn-45286135169247 (READ-ONLY COPY).

The authoritative reference and input builder live on the scoring server;
editing this copy changes nothing except your own understanding.
"""

import jax, jax.numpy as jnp
import numpy as np

PRE_NMS_TOPN = 6000
POST_NMS_TOPN = 1000
NMS_THRESH = 0.7
IMG_SIZE = 512
BATCH = 4


def _generate_anchors():
    # RetinaNet-style Anchors() for a 512x512 input, levels P3-P7
    pyramid_levels = [3, 4, 5, 6, 7]
    ratios = np.array([0.5, 1.0, 2.0])
    scales = np.array([2 ** 0, 2 ** (1.0 / 3.0), 2 ** (2.0 / 3.0)])
    image_shape = np.array([IMG_SIZE, IMG_SIZE])
    all_anchors = np.zeros((0, 4), dtype=np.float64)
    for p in pyramid_levels:
        base_size = 2 ** (p + 2)
        stride = 2 ** p
        num_anchors = len(ratios) * len(scales)
        anchors = np.zeros((num_anchors, 4))
        anchors[:, 2:] = base_size * np.tile(scales, (2, len(ratios))).T
        areas = anchors[:, 2] * anchors[:, 3]
        anchors[:, 2] = np.sqrt(areas / np.repeat(ratios, len(scales)))
        anchors[:, 3] = anchors[:, 2] * np.repeat(ratios, len(scales))
        anchors[:, 0::2] -= np.tile(anchors[:, 2] * 0.5, (2, 1)).T
        anchors[:, 1::2] -= np.tile(anchors[:, 3] * 0.5, (2, 1)).T
        shape = (image_shape + stride - 1) // stride
        shift_x = (np.arange(0, shape[1]) + 0.5) * stride
        shift_y = (np.arange(0, shape[0]) + 0.5) * stride
        sx, sy = np.meshgrid(shift_x, shift_y)
        shifts = np.vstack((sx.ravel(), sy.ravel(), sx.ravel(), sy.ravel())).transpose()
        A = anchors.shape[0]
        K = shifts.shape[0]
        shifted = (anchors.reshape((1, A, 4)) + shifts.reshape((1, K, 4)).transpose((1, 0, 2))).reshape((K * A, 4))
        all_anchors = np.append(all_anchors, shifted, axis=0)
    return all_anchors.astype(np.float32)


_ANCHORS_NP = _generate_anchors()
NUM_ANCHORS = _ANCHORS_NP.shape[0]  # 49104


def setup_inputs(seed: int = 0) -> dict:
    key = jax.random.key(seed)
    k1, k2 = jax.random.split(key)
    scores = jax.random.uniform(k1, (BATCH, NUM_ANCHORS, 1), dtype=jnp.float32)
    bbox_deltas = jax.random.normal(k2, (BATCH, NUM_ANCHORS, 4), dtype=jnp.float32)
    im_info = jnp.ones((BATCH, 3), dtype=jnp.float32)
    return {"scores": scores, "bbox_deltas": bbox_deltas, "im_info": im_info}


def _bbox_transform(anchors, deltas):
    # BBoxTransform with RetinaNet std scaling (0.1, 0.1, 0.2, 0.2)
    widths = anchors[..., 2] - anchors[..., 0]
    heights = anchors[..., 3] - anchors[..., 1]
    ctr_x = anchors[..., 0] + 0.5 * widths
    ctr_y = anchors[..., 1] + 0.5 * heights
    dx = deltas[..., 0] * 0.1
    dy = deltas[..., 1] * 0.1
    dw = deltas[..., 2] * 0.2
    dh = deltas[..., 3] * 0.2
    pred_ctr_x = ctr_x + dx * widths
    pred_ctr_y = ctr_y + dy * heights
    pred_w = jnp.exp(dw) * widths
    pred_h = jnp.exp(dh) * heights
    x1 = pred_ctr_x - 0.5 * pred_w
    y1 = pred_ctr_y - 0.5 * pred_h
    x2 = pred_ctr_x + 0.5 * pred_w
    y2 = pred_ctr_y + 0.5 * pred_h
    return jnp.stack([x1, y1, x2, y2], axis=-1)


def _clip_boxes(boxes):
    # ClipBoxes against the fixed 512x512 image used in the torch forward
    return jnp.stack([
        jnp.clip(boxes[..., 0], 0.0, float(IMG_SIZE)),
        jnp.clip(boxes[..., 1], 0.0, float(IMG_SIZE)),
        jnp.clip(boxes[..., 2], 0.0, float(IMG_SIZE)),
        jnp.clip(boxes[..., 3], 0.0, float(IMG_SIZE)),
    ], axis=-1)


def _nms_single(boxes, scores):
    # Greedy hard NMS over PRE_NMS_TOPN boxes, emitting up to POST_NMS_TOPN keep indices (-1 = padding)
    x1, y1, x2, y2 = boxes[:, 0], boxes[:, 1], boxes[:, 2], boxes[:, 3]
    areas = (x2 - x1) * (y2 - y1)

    def body(i, state):
        suppressed, keep = state
        masked = jnp.where(suppressed, -jnp.inf, scores)
        idx = jnp.argmax(masked)
        valid = jnp.logical_not(suppressed[idx])
        keep = keep.at[i].set(jnp.where(valid, idx.astype(jnp.int32), jnp.int32(-1)))
        xx1 = jnp.maximum(x1[idx], x1)
        yy1 = jnp.maximum(y1[idx], y1)
        xx2 = jnp.minimum(x2[idx], x2)
        yy2 = jnp.minimum(y2[idx], y2)
        w = jnp.maximum(xx2 - xx1, 0.0)
        h = jnp.maximum(yy2 - yy1, 0.0)
        inter = w * h
        iou = inter / (areas[idx] + areas - inter + 1e-8)
        new_sup = suppressed | (iou > NMS_THRESH)
        new_sup = new_sup.at[idx].set(True)
        suppressed = jnp.where(valid, new_sup, suppressed)
        return (suppressed, keep)

    suppressed0 = jnp.zeros((boxes.shape[0],), dtype=bool)
    keep0 = jnp.full((POST_NMS_TOPN,), -1, dtype=jnp.int32)
    _, keep = jax.lax.fori_loop(0, POST_NMS_TOPN, body, (suppressed0, keep0))
    return keep


def reference(scores, bbox_deltas, im_info):
    anchors = jnp.asarray(_ANCHORS_NP)
    batch_size = bbox_deltas.shape[0]
    anchors_b = jnp.broadcast_to(anchors[None, :, :], (batch_size, anchors.shape[0], 4))
    proposals = _bbox_transform(anchors_b, bbox_deltas)
    proposals = _clip_boxes(proposals)
    sc = scores[:, :, 0]
    order = jnp.argsort(-sc, axis=1)
    outs = []
    for i in range(batch_size):
        order_i = order[i, :PRE_NMS_TOPN]
        p = proposals[i][order_i, :]
        s = sc[i][order_i]
        keep = _nms_single(jax.lax.stop_gradient(p), jax.lax.stop_gradient(s))
        valid = keep >= 0
        safe = jnp.maximum(keep, 0)
        p_keep = jnp.where(valid[:, None], p[safe, :], 0.0)
        col0 = jnp.full((POST_NMS_TOPN, 1), float(i), dtype=jnp.float32)
        outs.append(jnp.concatenate([col0, p_keep], axis=1))
    return jnp.stack(outs, axis=0)

if __name__ == "__main__":
    import jax
    _d = setup_inputs()
    print(jax.jit(kernel)(*tuple(_d.values())))

</pallas_src>

<mosaic_0001>
#map = affine_map<(d0, d1) -> (0)>
module attributes {stable_mosaic.version = 14 : i64} {
  func.func @_nms_body(%arg0: i32, %arg1: i32, %arg2: memref<192512xf32, #tpu.memory_space<hbm>>, %arg3: memref<163840xf32, #tpu.memory_space<hbm>>, %arg4: memref<6016xf32, #tpu.memory_space<vmem>>, %arg5: memref<6016xf32, #tpu.memory_space<vmem>>, %arg6: memref<6016xf32, #tpu.memory_space<vmem>>, %arg7: memref<6016xf32, #tpu.memory_space<vmem>>, %arg8: memref<6016xf32, #tpu.memory_space<vmem>>, %arg9: memref<6016xf32, #tpu.memory_space<vmem>>, %arg10: memref<6016xf32, #tpu.memory_space<vmem>>, %arg11: memref<6016xf32, #tpu.memory_space<vmem>>, %arg12: memref<6016xf32, #tpu.memory_space<vmem>>, %arg13: memref<6016xf32, #tpu.memory_space<vmem>>, %arg14: memref<6016xf32, #tpu.memory_space<vmem>>, %arg15: memref<6016xf32, #tpu.memory_space<vmem>>, %arg16: memref<6016xf32, #tpu.memory_space<vmem>>, %arg17: memref<1024xf32, #tpu.memory_space<vmem>>, %arg18: memref<1024xf32, #tpu.memory_space<vmem>>, %arg19: memref<1024xf32, #tpu.memory_space<vmem>>, %arg20: memref<1024xf32, #tpu.memory_space<vmem>>, %arg21: memref<1024xf32, #tpu.memory_space<vmem>>, %arg22: memref<1024xf32, #tpu.memory_space<vmem>>) attributes {dimension_semantics = [#tpu.dimension_semantics<core_parallel>, #tpu.dimension_semantics<subcore_parallel>], iteration_bounds = array<i64: 2, 16>, scalar_prefetch = 0 : i64, scratch_operands = 19 : i64, tpu.core_type = #tpu.core_type<sc_vector_subcore>, window_params = [{transform_indices = #map}, {transform_indices = #map}]} {
    %mul3A = arith.constant 2 : i32
    %mul3A_0 = arith.muli %arg1, %mul3A : i32
    %add3A = arith.addi %mul3A_0, %arg0 : i32
    %rem3A = arith.constant 4 : i32
    %rem3A_1 = arith.remsi %add3A, %rem3A : i32
    %add3A_2 = arith.constant 0 : i32
    %add3A_3 = arith.addi %add3A_2, %rem3A_1 : i32
    %mul3A_4 = arith.constant 6016 : i32
    %mul3A_5 = arith.muli %add3A_3, %mul3A_4 : i32
    "tpu.region"() ({
      %run_scoped3A = tpu.sem_alloc : memref<!tpu.dma_semaphore, #tpu.memory_space<semaphore_mem>>
      %dma_start3A = tpu.memref_slice %arg2[%mul3A_5] : memref<192512xf32, #tpu.memory_space<hbm>> -> memref<6016xf32, #tpu.memory_space<hbm>>
      %dma_start3A_75 = tpu.memref_slice %arg2[%mul3A_5] : memref<192512xf32, #tpu.memory_space<hbm>> -> memref<6016xf32, #tpu.memory_space<hbm>>
      tpu.enqueue_dma source(%dma_start3A_75 : memref<6016xf32, #tpu.memory_space<hbm>>) target(%arg4 : memref<6016xf32, #tpu.memory_space<vmem>>) target_semaphore(%run_scoped3A : memref<!tpu.dma_semaphore, #tpu.memory_space<semaphore_mem>>)
      %dma_wait3A = tpu.memref_slice %arg2[%mul3A_5] : memref<192512xf32, #tpu.memory_space<hbm>> -> memref<6016xf32, #tpu.memory_space<hbm>>
      %dma_wait3A_76 = tpu.memref_slice %arg2[%mul3A_5] : memref<192512xf32, #tpu.memory_space<hbm>> -> memref<6016xf32, #tpu.memory_space<hbm>>
      tpu.wait_dma2 semaphore(%run_scoped3A : memref<!tpu.dma_semaphore, #tpu.memory_space<semaphore_mem>>) src(%dma_wait3A_76 : memref<6016xf32, #tpu.memory_space<hbm>>) dst(%arg4 : memref<6016xf32, #tpu.memory_space<vmem>>)
      tpu.yield
    }) : () -> ()
    %add3A_6 = arith.constant 4 : i32
    %add3A_7 = arith.addi %add3A_6, %rem3A_1 : i32
    %mul3A_8 = arith.constant 6016 : i32
    %mul3A_9 = arith.muli %add3A_7, %mul3A_8 : i32
    "tpu.region"() ({
      %run_scoped3A = tpu.sem_alloc : memref<!tpu.dma_semaphore, #tpu.memory_space<semaphore_mem>>
      %dma_start3A = tpu.memref_slice %arg2[%mul3A_9] : memref<192512xf32, #tpu.memory_space<hbm>> -> memref<6016xf32, #tpu.memory_space<hbm>>
      %dma_start3A_75 = tpu.memref_slice %arg2[%mul3A_9] : memref<192512xf32, #tpu.memory_space<hbm>> -> memref<6016xf32, #tpu.memory_space<hbm>>
      tpu.enqueue_dma source(%dma_start3A_75 : memref<6016xf32, #tpu.memory_space<hbm>>) target(%arg5 : memref<6016xf32, #tpu.memory_space<vmem>>) target_semaphore(%run_scoped3A : memref<!tpu.dma_semaphore, #tpu.memory_space<semaphore_mem>>)
      %dma_wait3A = tpu.memref_slice %arg2[%mul3A_9] : memref<192512xf32, #tpu.memory_space<hbm>> -> memref<6016xf32, #tpu.memory_space<hbm>>
      %dma_wait3A_76 = tpu.memref_slice %arg2[%mul3A_9] : memref<192512xf32, #tpu.memory_space<hbm>> -> memref<6016xf32, #tpu.memory_space<hbm>>
      tpu.wait_dma2 semaphore(%run_scoped3A : memref<!tpu.dma_semaphore, #tpu.memory_space<semaphore_mem>>) src(%dma_wait3A_76 : memref<6016xf32, #tpu.memory_space<hbm>>) dst(%arg5 : memref<6016xf32, #tpu.memory_space<vmem>>)
      tpu.yield
    }) : () -> ()
    %add3A_10 = arith.constant 8 : i32
    %add3A_11 = arith.addi %add3A_10, %rem3A_1 : i32
    %mul3A_12 = arith.constant 6016 : i32
    %mul3A_13 = arith.muli %add3A_11, %mul3A_12 : i32
    "tpu.region"() ({
      %run_scoped3A = tpu.sem_alloc : memref<!tpu.dma_semaphore, #tpu.memory_space<semaphore_mem>>
      %dma_start3A = tpu.memref_slice %arg2[%mul3A_13] : memref<192512xf32, #tpu.memory_space<hbm>> -> memref<6016xf32, #tpu.memory_space<hbm>>
      %dma_start3A_75 = tpu.memref_slice %arg2[%mul3A_13] : memref<192512xf32, #tpu.memory_space<hbm>> -> memref<6016xf32, #tpu.memory_space<hbm>>
      tpu.enqueue_dma source(%dma_start3A_75 : memref<6016xf32, #tpu.memory_space<hbm>>) target(%arg6 : memref<6016xf32, #tpu.memory_space<vmem>>) target_semaphore(%run_scoped3A : memref<!tpu.dma_semaphore, #tpu.memory_space<semaphore_mem>>)
      %dma_wait3A = tpu.memref_slice %arg2[%mul3A_13] : memref<192512xf32, #tpu.memory_space<hbm>> -> memref<6016xf32, #tpu.memory_space<hbm>>
      %dma_wait3A_76 = tpu.memref_slice %arg2[%mul3A_13] : memref<192512xf32, #tpu.memory_space<hbm>> -> memref<6016xf32, #tpu.memory_space<hbm>>
      tpu.wait_dma2 semaphore(%run_scoped3A : memref<!tpu.dma_semaphore, #tpu.memory_space<semaphore_mem>>) src(%dma_wait3A_76 : memref<6016xf32, #tpu.memory_space<hbm>>) dst(%arg6 : memref<6016xf32, #tpu.memory_space<vmem>>)
      tpu.yield
    }) : () -> ()
    %add3A_14 = arith.constant 12 : i32
    %add3A_15 = arith.addi %add3A_14, %rem3A_1 : i32
    %mul3A_16 = arith.constant 6016 : i32
    %mul3A_17 = arith.muli %add3A_15, %mul3A_16 : i32
    "tpu.region"() ({
      %run_scoped3A = tpu.sem_alloc : memref<!tpu.dma_semaphore, #tpu.memory_space<semaphore_mem>>
      %dma_start3A = tpu.memref_slice %arg2[%mul3A_17] : memref<192512xf32, #tpu.memory_space<hbm>> -> memref<6016xf32, #tpu.memory_space<hbm>>
      %dma_start3A_75 = tpu.memref_slice %arg2[%mul3A_17] : memref<192512xf32, #tpu.memory_space<hbm>> -> memref<6016xf32, #tpu.memory_space<hbm>>
      tpu.enqueue_dma source(%dma_start3A_75 : memref<6016xf32, #tpu.memory_space<hbm>>) target(%arg7 : memref<6016xf32, #tpu.memory_space<vmem>>) target_semaphore(%run_scoped3A : memref<!tpu.dma_semaphore, #tpu.memory_space<semaphore_mem>>)
      %dma_wait3A = tpu.memref_slice %arg2[%mul3A_17] : memref<192512xf32, #tpu.memory_space<hbm>> -> memref<6016xf32, #tpu.memory_space<hbm>>
      %dma_wait3A_76 = tpu.memref_slice %arg2[%mul3A_17] : memref<192512xf32, #tpu.memory_space<hbm>> -> memref<6016xf32, #tpu.memory_space<hbm>>
      tpu.wait_dma2 semaphore(%run_scoped3A : memref<!tpu.dma_semaphore, #tpu.memory_space<semaphore_mem>>) src(%dma_wait3A_76 : memref<6016xf32, #tpu.memory_space<hbm>>) dst(%arg7 : memref<6016xf32, #tpu.memory_space<vmem>>)
      tpu.yield
    }) : () -> ()
    %add3A_18 = arith.constant 16 : i32
    %add3A_19 = arith.addi %add3A_18, %rem3A_1 : i32
    %mul3A_20 = arith.constant 6016 : i32
    %mul3A_21 = arith.muli %add3A_19, %mul3A_20 : i32
    "tpu.region"() ({
      %run_scoped3A = tpu.sem_alloc : memref<!tpu.dma_semaphore, #tpu.memory_space<semaphore_mem>>
      %dma_start3A = tpu.memref_slice %arg2[%mul3A_21] : memref<192512xf32, #tpu.memory_space<hbm>> -> memref<6016xf32, #tpu.memory_space<hbm>>
      %dma_start3A_75 = tpu.memref_slice %arg2[%mul3A_21] : memref<192512xf32, #tpu.memory_space<hbm>> -> memref<6016xf32, #tpu.memory_space<hbm>>
      tpu.enqueue_dma source(%dma_start3A_75 : memref<6016xf32, #tpu.memory_space<hbm>>) target(%arg8 : memref<6016xf32, #tpu.memory_space<vmem>>) target_semaphore(%run_scoped3A : memref<!tpu.dma_semaphore, #tpu.memory_space<semaphore_mem>>)
      %dma_wait3A = tpu.memref_slice %arg2[%mul3A_21] : memref<192512xf32, #tpu.memory_space<hbm>> -> memref<6016xf32, #tpu.memory_space<hbm>>
      %dma_wait3A_76 = tpu.memref_slice %arg2[%mul3A_21] : memref<192512xf32, #tpu.memory_space<hbm>> -> memref<6016xf32, #tpu.memory_space<hbm>>
      tpu.wait_dma2 semaphore(%run_scoped3A : memref<!tpu.dma_semaphore, #tpu.memory_space<semaphore_mem>>) src(%dma_wait3A_76 : memref<6016xf32, #tpu.memory_space<hbm>>) dst(%arg8 : memref<6016xf32, #tpu.memory_space<vmem>>)
      tpu.yield
    }) : () -> ()
    %add3A_22 = arith.constant 20 : i32
    %add3A_23 = arith.addi %add3A_22, %rem3A_1 : i32
    %mul3A_24 = arith.constant 6016 : i32
    %mul3A_25 = arith.muli %add3A_23, %mul3A_24 : i32
    "tpu.region"() ({
      %run_scoped3A = tpu.sem_alloc : memref<!tpu.dma_semaphore, #tpu.memory_space<semaphore_mem>>
      %dma_start3A = tpu.memref_slice %arg2[%mul3A_25] : memref<192512xf32, #tpu.memory_space<hbm>> -> memref<6016xf32, #tpu.memory_space<hbm>>
      %dma_start3A_75 = tpu.memref_slice %arg2[%mul3A_25] : memref<192512xf32, #tpu.memory_space<hbm>> -> memref<6016xf32, #tpu.memory_space<hbm>>
      tpu.enqueue_dma source(%dma_start3A_75 : memref<6016xf32, #tpu.memory_space<hbm>>) target(%arg9 : memref<6016xf32, #tpu.memory_space<vmem>>) target_semaphore(%run_scoped3A : memref<!tpu.dma_semaphore, #tpu.memory_space<semaphore_mem>>)
      %dma_wait3A = tpu.memref_slice %arg2[%mul3A_25] : memref<192512xf32, #tpu.memory_space<hbm>> -> memref<6016xf32, #tpu.memory_space<hbm>>
      %dma_wait3A_76 = tpu.memref_slice %arg2[%mul3A_25] : memref<192512xf32, #tpu.memory_space<hbm>> -> memref<6016xf32, #tpu.memory_space<hbm>>
      tpu.wait_dma2 semaphore(%run_scoped3A : memref<!tpu.dma_semaphore, #tpu.memory_space<semaphore_mem>>) src(%dma_wait3A_76 : memref<6016xf32, #tpu.memory_space<hbm>>) dst(%arg9 : memref<6016xf32, #tpu.memory_space<vmem>>)
      tpu.yield
    }) : () -> ()
    %add3A_26 = arith.constant 24 : i32
    %add3A_27 = arith.addi %add3A_26, %rem3A_1 : i32
    %mul3A_28 = arith.constant 6016 : i32
    %mul3A_29 = arith.muli %add3A_27, %mul3A_28 : i32
    "tpu.region"() ({
      %run_scoped3A = tpu.sem_alloc : memref<!tpu.dma_semaphore, #tpu.memory_space<semaphore_mem>>
      %dma_start3A = tpu.memref_slice %arg2[%mul3A_29] : memref<192512xf32, #tpu.memory_space<hbm>> -> memref<6016xf32, #tpu.memory_space<hbm>>
      %dma_start3A_75 = tpu.memref_slice %arg2[%mul3A_29] : memref<192512xf32, #tpu.memory_space<hbm>> -> memref<6016xf32, #tpu.memory_space<hbm>>
      tpu.enqueue_dma source(%dma_start3A_75 : memref<6016xf32, #tpu.memory_space<hbm>>) target(%arg10 : memref<6016xf32, #tpu.memory_space<vmem>>) target_semaphore(%run_scoped3A : memref<!tpu.dma_semaphore, #tpu.memory_space<semaphore_mem>>)
      %dma_wait3A = tpu.memref_slice %arg2[%mul3A_29] : memref<192512xf32, #tpu.memory_space<hbm>> -> memref<6016xf32, #tpu.memory_space<hbm>>
      %dma_wait3A_76 = tpu.memref_slice %arg2[%mul3A_29] : memref<192512xf32, #tpu.memory_space<hbm>> -> memref<6016xf32, #tpu.memory_space<hbm>>
      tpu.wait_dma2 semaphore(%run_scoped3A : memref<!tpu.dma_semaphore, #tpu.memory_space<semaphore_mem>>) src(%dma_wait3A_76 : memref<6016xf32, #tpu.memory_space<hbm>>) dst(%arg10 : memref<6016xf32, #tpu.memory_space<vmem>>)
      tpu.yield
    }) : () -> ()
    %add3A_30 = arith.constant 28 : i32
    %add3A_31 = arith.addi %add3A_30, %rem3A_1 : i32
    %mul3A_32 = arith.constant 6016 : i32
    %mul3A_33 = arith.muli %add3A_31, %mul3A_32 : i32
    "tpu.region"() ({
      %run_scoped3A = tpu.sem_alloc : memref<!tpu.dma_semaphore, #tpu.memory_space<semaphore_mem>>
      %dma_start3A = tpu.memref_slice %arg2[%mul3A_33] : memref<192512xf32, #tpu.memory_space<hbm>> -> memref<6016xf32, #tpu.memory_space<hbm>>
      %dma_start3A_75 = tpu.memref_slice %arg2[%mul3A_33] : memref<192512xf32, #tpu.memory_space<hbm>> -> memref<6016xf32, #tpu.memory_space<hbm>>
      tpu.enqueue_dma source(%dma_start3A_75 : memref<6016xf32, #tpu.memory_space<hbm>>) target(%arg11 : memref<6016xf32, #tpu.memory_space<vmem>>) target_semaphore(%run_scoped3A : memref<!tpu.dma_semaphore, #tpu.memory_space<semaphore_mem>>)
      %dma_wait3A = tpu.memref_slice %arg2[%mul3A_33] : memref<192512xf32, #tpu.memory_space<hbm>> -> memref<6016xf32, #tpu.memory_space<hbm>>
      %dma_wait3A_76 = tpu.memref_slice %arg2[%mul3A_33] : memref<192512xf32, #tpu.memory_space<hbm>> -> memref<6016xf32, #tpu.memory_space<hbm>>
      tpu.wait_dma2 semaphore(%run_scoped3A : memref<!tpu.dma_semaphore, #tpu.memory_space<semaphore_mem>>) src(%dma_wait3A_76 : memref<6016xf32, #tpu.memory_space<hbm>>) dst(%arg11 : memref<6016xf32, #tpu.memory_space<vmem>>)
      tpu.yield
    }) : () -> ()
    %scan3A = arith.constant 0 : i32
    %scan3A_34 = arith.constant 0 : i32
    %scan3A_35 = arith.constant 376 : i32
    %scan3A_36 = arith.addi %scan3A_34, %scan3A_35 : i32
    %scan3A_37 = arith.constant 1 : i32
    %scan3A_38 = scf.for %scan3A_75 = %scan3A_34 to %scan3A_36 step %scan3A_37 iter_args(%scan3A_76 = %scan3A) -> (i32)  : i32 {
      %mul3A_77 = arith.constant 16 : i32
      %mul3A_78 = arith.muli %scan3A_75, %mul3A_77 : i32
      %get3A = arith.index_cast %mul3A_78 : i32 to index
      %get3A_79 = tpu.vector_load %arg6[%get3A] {strides = array<i32>} : memref<6016xf32, #tpu.memory_space<vmem>>, vector<16xf32>,
      %get3A_80 = arith.index_cast %mul3A_78 : i32 to index
      %get3A_81 = tpu.vector_load %arg4[%get3A_80] {strides = array<i32>} : memref<6016xf32, #tpu.memory_space<vmem>>, vector<16xf32>,
      %sub3A = arith.subf %get3A_79, %get3A_81 : vector<16xf32>
      %get3A_82 = arith.index_cast %mul3A_78 : i32 to index
      %get3A_83 = tpu.vector_load %arg7[%get3A_82] {strides = array<i32>} : memref<6016xf32, #tpu.memory_space<vmem>>, vector<16xf32>,
      %get3A_84 = arith.index_cast %mul3A_78 : i32 to index
      %get3A_85 = tpu.vector_load %arg5[%get3A_84] {strides = array<i32>} : memref<6016xf32, #tpu.memory_space<vmem>>, vector<16xf32>,
      %sub3A_86 = arith.subf %get3A_83, %get3A_85 : vector<16xf32>
      %get3A_87 = arith.index_cast %mul3A_78 : i32 to index
      %get3A_88 = tpu.vector_load %arg4[%get3A_87] {strides = array<i32>} : memref<6016xf32, #tpu.memory_space<vmem>>, vector<16xf32>,
      %mul3A_89 = arith.constant 5.000000e-01 : f32
      %mul3A_90 = vector.broadcast %mul3A_89 : f32 to vector<16xf32>
      %mul3A_91 = arith.mulf %mul3A_90, %sub3A : vector<16xf32>
      %add3A_92 = arith.addf %get3A_88, %mul3A_91 : vector<16xf32>
      %get3A_93 = arith.index_cast %mul3A_78 : i32 to index
      %get3A_94 = tpu.vector_load %arg5[%get3A_93] {strides = array<i32>} : memref<6016xf32, #tpu.memory_space<vmem>>, vector<16xf32>,
      %mul3A_95 = arith.constant 5.000000e-01 : f32
      %mul3A_96 = vector.broadcast %mul3A_95 : f32 to vector<16xf32>
      %mul3A_97 = arith.mulf %mul3A_96, %sub3A_86 : vector<16xf32>
      %add3A_98 = arith.addf %get3A_94, %mul3A_97 : vector<16xf32>
      %get3A_99 = arith.index_cast %mul3A_78 : i32 to index
      %get3A_100 = tpu.vector_load %arg8[%get3A_99] {strides = array<i32>} : memref<6016xf32, #tpu.memory_space<vmem>>, vector<16xf32>,
      %mul3A_101 = arith.constant 1.000000e-01 : f32
      %mul3A_102 = vector.broadcast %mul3A_101 : f32 to vector<16xf32>
      %mul3A_103 = arith.mulf %get3A_100, %mul3A_102 : vector<16xf32>
      %mul3A_104 = arith.mulf %mul3A_103, %sub3A : vector<16xf32>
      %add3A_105 = arith.addf %add3A_92, %mul3A_104 : vector<16xf32>
      %get3A_106 = arith.index_cast %mul3A_78 : i32 to index
      %get3A_107 = tpu.vector_load %arg9[%get3A_106] {strides = array<i32>} : memref<6016xf32, #tpu.memory_space<vmem>>, vector<16xf32>,
      %mul3A_108 = arith.constant 1.000000e-01 : f32
      %mul3A_109 = vector.broadcast %mul3A_108 : f32 to vector<16xf32>
      %mul3A_110 = arith.mulf %get3A_107, %mul3A_109 : vector<16xf32>
      %mul3A_111 = arith.mulf %mul3A_110, %sub3A_86 : vector<16xf32>
      %add3A_112 = arith.addf %add3A_98, %mul3A_111 : vector<16xf32>
      %get3A_113 = arith.index_cast %mul3A_78 : i32 to index
      %get3A_114 = tpu.vector_load %arg10[%get3A_113] {strides = array<i32>} : memref<6016xf32, #tpu.memory_space<vmem>>, vector<16xf32>,
      %mul3A_115 = arith.mulf %get3A_114, %sub3A : vector<16xf32>
      %get3A_116 = arith.index_cast %mul3A_78 : i32 to index
      %get3A_117 = tpu.vector_load %arg11[%get3A_116] {strides = array<i32>} : memref<6016xf32, #tpu.memory_space<vmem>>, vector<16xf32>,
      %mul3A_118 = arith.mulf %get3A_117, %sub3A_86 : vector<16xf32>
      %mul3A_119 = arith.constant 5.000000e-01 : f32
      %mul3A_120 = vector.broadcast %mul3A_119 : f32 to vector<16xf32>
      %mul3A_121 = arith.mulf %mul3A_120, %mul3A_115 : vector<16xf32>
      %sub3A_122 = arith.subf %add3A_105, %mul3A_121 : vector<16xf32>
      %max3A = arith.constant 0.000000e+00 : f32
      %max3A_123 = vector.broadcast %max3A : f32 to vector<16xf32>
      %max3A_124 = arith.maximumf %sub3A_122, %max3A_123 : vector<16xf32>
      %min3A = arith.constant 5.120000e+02 : f32
      %min3A_125 = vector.broadcast %min3A : f32 to vector<16xf32>
      %min3A_126 = arith.minimumf %max3A_124, %min3A_125 : vector<16xf32>
      %mul3A_127 = arith.constant 5.000000e-01 : f32
      %mul3A_128 = vector.broadcast %mul3A_127 : f32 to vector<16xf32>
      %mul3A_129 = arith.mulf %mul3A_128, %mul3A_118 : vector<16xf32>
      %sub3A_130 = arith.subf %add3A_112, %mul3A_129 : vector<16xf32>
      %max3A_131 = arith.constant 0.000000e+00 : f32
      %max3A_132 = vector.broadcast %max3A_131 : f32 to vector<16xf32>
      %max3A_133 = arith.maximumf %sub3A_130, %max3A_132 : vector<16xf32>
      %min3A_134 = arith.constant 5.120000e+02 : f32
      %min3A_135 = vector.broadcast %min3A_134 : f32 to vector<16xf32>
      %min3A_136 = arith.minimumf %max3A_133, %min3A_135 : vector<16xf32>
      %mul3A_137 = arith.constant 5.000000e-01 : f32
      %mul3A_138 = vector.broadcast %mul3A_137 : f32 to vector<16xf32>
      %mul3A_139 = arith.mulf %mul3A_138, %mul3A_115 : vector<16xf32>
      %add3A_140 = arith.addf %add3A_105, %mul3A_139 : vector<16xf32>
      %max3A_141 = arith.constant 0.000000e+00 : f32
      %max3A_142 = vector.broadcast %max3A_141 : f32 to vector<16xf32>
      %max3A_143 = arith.maximumf %add3A_140, %max3A_142 : vector<16xf32>
      %min3A_144 = arith.constant 5.120000e+02 : f32
      %min3A_145 = vector.broadcast %min3A_144 : f32 to vector<16xf32>
      %min3A_146 = arith.minimumf %max3A_143, %min3A_145 : vector<16xf32>
      %mul3A_147 = arith.constant 5.000000e-01 : f32
      %mul3A_148 = vector.broadcast %mul3A_147 : f32 to vector<16xf32>
      %mul3A_149 = arith.mulf %mul3A_148, %mul3A_118 : vector<16xf32>
      %add3A_150 = arith.addf %add3A_112, %mul3A_149 : vector<16xf32>
      %max3A_151 = arith.constant 0.000000e+00 : f32
      %max3A_152 = vector.broadcast %max3A_151 : f32 to vector<16xf32>
      %max3A_153 = arith.maximumf %add3A_150, %max3A_152 : vector<16xf32>
      %min3A_154 = arith.constant 5.120000e+02 : f32
      %min3A_155 = vector.broadcast %min3A_154 : f32 to vector<16xf32>
      %min3A_156 = arith.minimumf %max3A_153, %min3A_155 : vector<16xf32>
      %swap3A = arith.index_cast %mul3A_78 : i32 to index
      %swap3A_157 = tpu.vector_load %arg12[%swap3A] {strides = array<i32>} : memref<6016xf32, #tpu.memory_space<vmem>>, vector<16xf32>,
      tpu.vector_store %arg12[%swap3A], %min3A_126 {strides = array<i32>} : memref<6016xf32, #tpu.memory_space<vmem>>, vector<16xf32>,
      %swap3A_158 = arith.index_cast %mul3A_78 : i32 to index
      %swap3A_159 = tpu.vector_load %arg13[%swap3A_158] {strides = array<i32>} : memref<6016xf32, #tpu.memory_space<vmem>>, vector<16xf32>,
      tpu.vector_store %arg13[%swap3A_158], %min3A_136 {strides = array<i32>} : memref<6016xf32, #tpu.memory_space<vmem>>, vector<16xf32>,
      %swap3A_160 = arith.index_cast %mul3A_78 : i32 to index
      %swap3A_161 = tpu.vector_load %arg14[%swap3A_160] {strides = array<i32>} : memref<6016xf32, #tpu.memory_space<vmem>>, vector<16xf32>,
      tpu.vector_store %arg14[%swap3A_160], %min3A_146 {strides = array<i32>} : memref<6016xf32, #tpu.memory_space<vmem>>, vector<16xf32>,
      %swap3A_162 = arith.index_cast %mul3A_78 : i32 to index
      %swap3A_163 = tpu.vector_load %arg15[%swap3A_162] {strides = array<i32>} : memref<6016xf32, #tpu.memory_space<vmem>>, vector<16xf32>,
      tpu.vector_store %arg15[%swap3A_162], %min3A_156 {strides = array<i32>} : memref<6016xf32, #tpu.memory_space<vmem>>, vector<16xf32>,
      %sub3A_164 = arith.subf %min3A_146, %min3A_126 : vector<16xf32>
      %sub3A_165 = arith.subf %min3A_156, %min3A_136 : vector<16xf32>
      %mul3A_166 = arith.mulf %sub3A_164, %sub3A_165 : vector<16xf32>
      %swap3A_167 = arith.index_cast %mul3A_78 : i32 to index
      %swap3A_168 = tpu.vector_load %arg16[%swap3A_167] {strides = array<i32>} : memref<6016xf32, #tpu.memory_space<vmem>>, vector<16xf32>,
      tpu.vector_store %arg16[%swap3A_167], %mul3A_166 {strides = array<i32>} : memref<6016xf32, #tpu.memory_space<vmem>>, vector<16xf32>,
      %scan3A_169 = arith.constant 0 : i32
      scf.yield %scan3A_169 : i32
    }
    %scan3A_39 = arith.constant 376 : i32
    %convert_element_type3A = arith.sitofp %rem3A_1 : i32 to f32
    %scan3A_40 = arith.constant 0 : i32
    %scan3A_41 = arith.constant 0 : i32
    %scan3A_42 = arith.constant 64 : i32
    %scan3A_43 = arith.addi %scan3A_41, %scan3A_42 : i32
    %scan3A_44 = arith.constant 1 : i32
    %scan3A_45 = scf.for %scan3A_75 = %scan3A_41 to %scan3A_43 step %scan3A_44 iter_args(%scan3A_76 = %scan3A_40) -> (i32)  : i32 {
      %mul3A_77 = arith.constant 16 : i32
      %mul3A_78 = arith.muli %scan3A_75, %mul3A_77 : i32
      %broadcast_in_dim3A = arith.constant 1.000000e+09 : f32
      %broadcast_in_dim3A_79 = vector.broadcast %broadcast_in_dim3A : f32 to vector<16xf32>
      %swap3A = arith.index_cast %mul3A_78 : i32 to index
      %swap3A_80 = tpu.vector_load %arg17[%swap3A] {strides = array<i32>} : memref<1024xf32, #tpu.memory_space<vmem>>, vector<16xf32>,
      tpu.vector_store %arg17[%swap3A], %broadcast_in_dim3A_79 {strides = array<i32>} : memref<1024xf32, #tpu.memory_space<vmem>>, vector<16xf32>,
      %swap3A_81 = arith.index_cast %mul3A_78 : i32 to index
      %swap3A_82 = tpu.vector_load %arg18[%swap3A_81] {strides = array<i32>} : memref<1024xf32, #tpu.memory_space<vmem>>, vector<16xf32>,
      tpu.vector_store %arg18[%swap3A_81], %broadcast_in_dim3A_79 {strides = array<i32>} : memref<1024xf32, #tpu.memory_space<vmem>>, vector<16xf32>,
      %swap3A_83 = arith.index_cast %mul3A_78 : i32 to index
      %swap3A_84 = tpu.vector_load %arg19[%swap3A_83] {strides = array<i32>} : memref<1024xf32, #tpu.memory_space<vmem>>, vector<16xf32>,
      tpu.vector_store %arg19[%swap3A_83], %broadcast_in_dim3A_79 {strides = array<i32>} : memref<1024xf32, #tpu.memory_space<vmem>>, vector<16xf32>,
      %swap3A_85 = arith.index_cast %mul3A_78 : i32 to index
      %swap3A_86 = tpu.vector_load %arg20[%swap3A_85] {strides = array<i32>} : memref<1024xf32, #tpu.memory_space<vmem>>, vector<16xf32>,
      tpu.vector_store %arg20[%swap3A_85], %broadcast_in_dim3A_79 {strides = array<i32>} : memref<1024xf32, #tpu.memory_space<vmem>>, vector<16xf32>,
      %broadcast_in_dim3A_87 = arith.constant 0.000000e+00 : f32
      %broadcast_in_dim3A_88 = vector.broadcast %broadcast_in_dim3A_87 : f32 to vector<16xf32>
      %swap3A_89 = arith.index_cast %mul3A_78 : i32 to index
      %swap3A_90 = tpu.vector_load %arg21[%swap3A_89] {strides = array<i32>} : memref<1024xf32, #tpu.memory_space<vmem>>, vector<16xf32>,
      tpu.vector_store %arg21[%swap3A_89], %broadcast_in_dim3A_88 {strides = array<i32>} : memref<1024xf32, #tpu.memory_space<vmem>>, vector<16xf32>,
      %broadcast_in_dim3A_91 = vector.broadcast %convert_element_type3A : f32 to vector<16xf32>
      %swap3A_92 = arith.index_cast %mul3A_78 : i32 to index
      %swap3A_93 = tpu.vector_load %arg22[%swap3A_92] {strides = array<i32>} : memref<1024xf32, #tpu.memory_space<vmem>>, vector<16xf32>,
      tpu.vector_store %arg22[%swap3A_92], %broadcast_in_dim3A_91 {strides = array<i32>} : memref<1024xf32, #tpu.memory_space<vmem>>, vector<16xf32>,
      %scan3A_94 = arith.constant 0 : i32
      scf.yield %scan3A_94 : i32
    }
    %scan3A_46 = arith.constant 64 : i32
    %iota3A = tpu.iota {dimensions = array<i32: 0>} : vector<16xi32>
    %eq3A = arith.constant 0 : i32
    %eq3A_47 = vector.broadcast %eq3A : i32 to vector<16xi32>
    %eq3A_48 = arith.cmpi eq, %iota3A, %eq3A_47 : vector<16xi32>
    %scan3A_49 = arith.constant 0 : i32
    %scan3A_50 = arith.constant 0 : i32
    %scan3A_51 = arith.constant 375 : i32
    %scan3A_52 = arith.addi %scan3A_50, %scan3A_51 : i32
    %scan3A_53 = arith.constant 1 : i32
    %scan3A_54 = scf.for %scan3A_75 = %scan3A_50 to %scan3A_52 step %scan3A_53 iter_args(%scan3A_76 = %scan3A_49) -> (i32)  : i32 {
      %lt3A = arith.constant 1000 : i32
      %lt3A_77 = arith.cmpi slt, %scan3A_76, %lt3A : i32
      %jit3A = arith.constant 16 : i32
      %jit3A_78 = arith.constant 0 : i32
      %select_n3A = arith.select %lt3A_77, %jit3A, %jit3A_78 : i32
      %while3A = arith.constant 0 : i32
      %while3A_79 = arith.subi %select_n3A, %while3A : i32
      %while3A_80 = arith.addi %while3A, %while3A_79 : i32
      %while3A_81 = arith.constant 1 : i32
      %while3A_82 = arith.divsi %while3A_79, %while3A_81 : i32
      %while3A_83 = arith.muli %while3A_82, %while3A_81 : i32
      %while3A_84 = arith.addi %while3A, %while3A_83 : i32
      %while3A_85 = arith.constant 1 : i32
      %while3A_86 = scf.for %while3A_89 = %while3A to %while3A_84 step %while3A_85 iter_args(%while3A_90 = %scan3A_76) -> (i32)  : i32 {
        %mul3A_91 = arith.constant 16 : i32
        %mul3A_92 = arith.muli %scan3A_75, %mul3A_91 : i32
        %add3A_93 = arith.addi %mul3A_92, %while3A_89 : i32
        %broadcast_in_dim3A = vector.broadcast %add3A_93 : i32 to vector<16xi32>
        %gather3A = tpu.vector_load_idx %arg12[%broadcast_in_dim3A] : memref<6016xf32, #tpu.memory_space<vmem>>[vector<16xi32>], vector<16xf32>,
        %gather3A_94 = tpu.vector_load_idx %arg13[%broadcast_in_dim3A] : memref<6016xf32, #tpu.memory_space<vmem>>[vector<16xi32>], vector<16xf32>,
        %gather3A_95 = tpu.vector_load_idx %arg14[%broadcast_in_dim3A] : memref<6016xf32, #tpu.memory_space<vmem>>[vector<16xi32>], vector<16xf32>,
        %gather3A_96 = tpu.vector_load_idx %arg15[%broadcast_in_dim3A] : memref<6016xf32, #tpu.memory_space<vmem>>[vector<16xi32>], vector<16xf32>,
        %gather3A_97 = tpu.vector_load_idx %arg16[%broadcast_in_dim3A] : memref<6016xf32, #tpu.memory_space<vmem>>[vector<16xi32>], vector<16xf32>,
        %lt3A_98 = arith.constant 1000 : i32
        %lt3A_99 = arith.cmpi slt, %while3A_90, %lt3A_98 : i32
        %add3A_100 = arith.constant 32 : i32
        %add3A_101 = arith.addi %while3A_90, %add3A_100 : i32
        %sub3A = arith.constant 1 : i32
        %sub3A_102 = arith.subi %add3A_101, %sub3A : i32
        %jit3A_103 = arith.constant 32 : i32
        %div3A = arith.divsi %sub3A_102, %jit3A_103 : i32
        %sign3A = arith.constant 0 : i32
        %sign3A_104 = arith.cmpi sgt, %sub3A_102, %sign3A : i32
        %sign3A_105 = arith.extui %sign3A_104 : i1 to i32
        %sign3A_106 = arith.constant 0 : i32
        %sign3A_107 = arith.cmpi slt, %sub3A_102, %sign3A_106 : i32
        %sign3A_108 = arith.extui %sign3A_107 : i1 to i32
        %sign3A_109 = arith.subi %sign3A_105, %sign3A_108 : i32
        %sign3A_110 = arith.constant 0 : i32
        %sign3A_111 = arith.cmpi sgt, %jit3A_103, %sign3A_110 : i32
        %sign3A_112 = arith.extui %sign3A_111 : i1 to i32
        %sign3A_113 = arith.constant 0 : i32
        %sign3A_114 = arith.cmpi slt, %jit3A_103, %sign3A_113 : i32
        %sign3A_115 = arith.extui %sign3A_114 : i1 to i32
        %sign3A_116 = arith.subi %sign3A_112, %sign3A_115 : i32
        %ne3A = arith.cmpi ne, %sign3A_109, %sign3A_116 : i32
        %rem3A_117 = arith.remsi %sub3A_102, %jit3A_103 : i32
        %ne3A_118 = arith.constant 0 : i32
        %ne3A_119 = arith.cmpi ne, %rem3A_117, %ne3A_118 : i32
        %and3A = arith.andi %ne3A, %ne3A_119 : i1
        %sub3A_120 = arith.constant 1 : i32
        %sub3A_121 = arith.subi %div3A, %sub3A_120 : i32
        %select_n3A_122 = arith.select %and3A, %sub3A_121, %div3A : i32
        %jit3A_123 = arith.constant 0 : i32
        %select_n3A_124 = arith.select %lt3A_99, %select_n3A_122, %jit3A_123 : i32
        %broadcast_in_dim3A_125 = arith.constant false
        %broadcast_in_dim3A_126 = vector.broadcast %broadcast_in_dim3A_125 : i1 to vector<16xi1>
        %while3A_127 = arith.constant 0 : i32
        %while3A_128 = arith.subi %select_n3A_124, %while3A_127 : i32
        %while3A_129 = arith.addi %while3A_127, %while3A_128 : i32
        %while3A_130 = arith.constant 1 : i32
        %while3A_131 = arith.divsi %while3A_128, %while3A_130 : i32
        %while3A_132 = arith.muli %while3A_131, %while3A_130 : i32
        %while3A_133 = arith.addi %while3A_127, %while3A_132 : i32
        %while3A_134 = arith.constant 1 : i32
        %while3A_135 = scf.for %while3A_157 = %while3A_127 to %while3A_133 step %while3A_134 iter_args(%while3A_158 = %broadcast_in_dim3A_126) -> (vector<16xi1>)  : i32 {
          %mul3A_159 = arith.constant 32 : i32
          %mul3A_160 = arith.muli %while3A_157, %mul3A_159 : i32
          %get3A = arith.index_cast %mul3A_160 : i32 to index
          %get3A_161 = tpu.vector_load %arg17[%get3A] {strides = array<i32>} : memref<1024xf32, #tpu.memory_space<vmem>>, vector<16xf32>,
          %max3A = arith.maximumf %get3A_161, %gather3A : vector<16xf32>
          %get3A_162 = arith.index_cast %mul3A_160 : i32 to index
          %get3A_163 = tpu.vector_load %arg18[%get3A_162] {strides = array<i32>} : memref<1024xf32, #tpu.memory_space<vmem>>, vector<16xf32>,
          %max3A_164 = arith.maximumf %get3A_163, %gather3A_94 : vector<16xf32>
          %get3A_165 = arith.index_cast %mul3A_160 : i32 to index
          %get3A_166 = tpu.vector_load %arg19[%get3A_165] {strides = array<i32>} : memref<1024xf32, #tpu.memory_space<vmem>>, vector<16xf32>,
          %min3A = arith.minimumf %get3A_166, %gather3A_95 : vector<16xf32>
          %get3A_167 = arith.index_cast %mul3A_160 : i32 to index
          %get3A_168 = tpu.vector_load %arg20[%get3A_167] {strides = array<i32>} : memref<1024xf32, #tpu.memory_space<vmem>>, vector<16xf32>,
          %min3A_169 = arith.minimumf %get3A_168, %gather3A_96 : vector<16xf32>
          %sub3A_170 = arith.subf %min3A, %max3A : vector<16xf32>
          %max3A_171 = arith.constant 0.000000e+00 : f32
          %max3A_172 = vector.broadcast %max3A_171 : f32 to vector<16xf32>
          %max3A_173 = arith.maximumf %sub3A_170, %max3A_172 : vector<16xf32>
          %sub3A_174 = arith.subf %min3A_169, %max3A_164 : vector<16xf32>
          %max3A_175 = arith.constant 0.000000e+00 : f32
          %max3A_176 = vector.broadcast %max3A_175 : f32 to vector<16xf32>
          %max3A_177 = arith.maximumf %sub3A_174, %max3A_176 : vector<16xf32>
          %mul3A_178 = arith.mulf %max3A_173, %max3A_177 : vector<16xf32>
          %get3A_179 = arith.index_cast %mul3A_160 : i32 to index
          %get3A_180 = tpu.vector_load %arg21[%get3A_179] {strides = array<i32>} : memref<1024xf32, #tpu.memory_space<vmem>>, vector<16xf32>,
          %add3A_181 = arith.addf %get3A_180, %gather3A_97 : vector<16xf32>
          %sub3A_182 = arith.subf %add3A_181, %mul3A_178 : vector<16xf32>
          %add3A_183 = arith.constant 9.99999993E-9 : f32
          %add3A_184 = vector.broadcast %add3A_183 : f32 to vector<16xf32>
          %add3A_185 = arith.addf %sub3A_182, %add3A_184 : vector<16xf32>
          %div3A_186 = arith.divf %mul3A_178, %add3A_185 : vector<16xf32>
          %gt3A = arith.constant 0.699999988 : f32
          %gt3A_187 = vector.broadcast %gt3A : f32 to vector<16xf32>
          %gt3A_188 = arith.cmpf ogt, %div3A_186, %gt3A_187 : vector<16xf32>
          %or3A = arith.ori %while3A_158, %gt3A_188 : vector<16xi1>
          %add3A_189 = arith.constant 16 : i32
          %add3A_190 = arith.addi %mul3A_160, %add3A_189 : i32
          %get3A_191 = arith.index_cast %add3A_190 : i32 to index
          %get3A_192 = tpu.vector_load %arg17[%get3A_191] {strides = array<i32>} : memref<1024xf32, #tpu.memory_space<vmem>>, vector<16xf32>,
          %max3A_193 = arith.maximumf %get3A_192, %gather3A : vector<16xf32>
          %get3A_194 = arith.index_cast %add3A_190 : i32 to index
          %get3A_195 = tpu.vector_load %arg18[%get3A_194] {strides = array<i32>} : memref<1024xf32, #tpu.memory_space<vmem>>, vector<16xf32>,
          %max3A_196 = arith.maximumf %get3A_195, %gather3A_94 : vector<16xf32>
          %get3A_197 = arith.index_cast %add3A_190 : i32 to index
          %get3A_198 = tpu.vector_load %arg19[%get3A_197] {strides = array<i32>} : memref<1024xf32, #tpu.memory_space<vmem>>, vector<16xf32>,
          %min3A_199 = arith.minimumf %get3A_198, %gather3A_95 : vector<16xf32>
          %get3A_200 = arith.index_cast %add3A_190 : i32 to index
          %get3A_201 = tpu.vector_load %arg20[%get3A_200] {strides = array<i32>} : memref<1024xf32, #tpu.memory_space<vmem>>, vector<16xf32>,
          %min3A_202 = arith.minimumf %get3A_201, %gather3A_96 : vector<16xf32>
          %sub3A_203 = arith.subf %min3A_199, %max3A_193 : vector<16xf32>
          %max3A_204 = arith.constant 0.000000e+00 : f32
          %max3A_205 = vector.broadcast %max3A_204 : f32 to vector<16xf32>
          %max3A_206 = arith.maximumf %sub3A_203, %max3A_205 : vector<16xf32>
          %sub3A_207 = arith.subf %min3A_202, %max3A_196 : vector<16xf32>
          %max3A_208 = arith.constant 0.000000e+00 : f32
          %max3A_209 = vector.broadcast %max3A_208 : f32 to vector<16xf32>
          %max3A_210 = arith.maximumf %sub3A_207, %max3A_209 : vector<16xf32>
          %mul3A_211 = arith.mulf %max3A_206, %max3A_210 : vector<16xf32>
          %get3A_212 = arith.index_cast %add3A_190 : i32 to index
          %get3A_213 = tpu.vector_load %arg21[%get3A_212] {strides = array<i32>} : memref<1024xf32, #tpu.memory_space<vmem>>, vector<16xf32>,
          %add3A_214 = arith.addf %get3A_213, %gather3A_97 : vector<16xf32>
          %sub3A_215 = arith.subf %add3A_214, %mul3A_211 : vector<16xf32>
          %add3A_216 = arith.constant 9.99999993E-9 : f32
          %add3A_217 = vector.broadcast %add3A_216 : f32 to vector<16xf32>
          %add3A_218 = arith.addf %sub3A_215, %add3A_217 : vector<16xf32>
          %div3A_219 = arith.divf %mul3A_211, %add3A_218 : vector<16xf32>
          %gt3A_220 = arith.constant 0.699999988 : f32
          %gt3A_221 = vector.broadcast %gt3A_220 : f32 to vector<16xf32>
          %gt3A_222 = arith.cmpf ogt, %div3A_219, %gt3A_221 : vector<16xf32>
          %or3A_223 = arith.ori %or3A, %gt3A_222 : vector<16xi1>
          scf.yield %or3A_223 : vector<16xi1>
        }
        %while3A_136 = arith.constant 1 : i32
        %while3A_137 = scf.for %while3A_157 = %while3A_133 to %while3A_129 step %while3A_136 iter_args(%while3A_158 = %while3A_135) -> (vector<16xi1>)  : i32 {
          %mul3A_159 = arith.constant 32 : i32
          %mul3A_160 = arith.muli %while3A_157, %mul3A_159 : i32
          %get3A = arith.index_cast %mul3A_160 : i32 to index
          %get3A_161 = tpu.vector_load %arg17[%get3A] {strides = array<i32>} : memref<1024xf32, #tpu.memory_space<vmem>>, vector<16xf32>,
          %max3A = arith.maximumf %get3A_161, %gather3A : vector<16xf32>
          %get3A_162 = arith.index_cast %mul3A_160 : i32 to index
          %get3A_163 = tpu.vector_load %arg18[%get3A_162] {strides = array<i32>} : memref<1024xf32, #tpu.memory_space<vmem>>, vector<16xf32>,
          %max3A_164 = arith.maximumf %get3A_163, %gather3A_94 : vector<16xf32>
          %get3A_165 = arith.index_cast %mul3A_160 : i32 to index
          %get3A_166 = tpu.vector_load %arg19[%get3A_165] {strides = array<i32>} : memref<1024xf32, #tpu.memory_space<vmem>>, vector<16xf32>,
          %min3A = arith.minimumf %get3A_166, %gather3A_95 : vector<16xf32>
          %get3A_167 = arith.index_cast %mul3A_160 : i32 to index
          %get3A_168 = tpu.vector_load %arg20[%get3A_167] {strides = array<i32>} : memref<1024xf32, #tpu.memory_space<vmem>>, vector<16xf32>,
          %min3A_169 = arith.minimumf %get3A_168, %gather3A_96 : vector<16xf32>
          %sub3A_170 = arith.subf %min3A, %max3A : vector<16xf32>
          %max3A_171 = arith.constant 0.000000e+00 : f32
          %max3A_172 = vector.broadcast %max3A_171 : f32 to vector<16xf32>
          %max3A_173 = arith.maximumf %sub3A_170, %max3A_172 : vector<16xf32>
          %sub3A_174 = arith.subf %min3A_169, %max3A_164 : vector<16xf32>
          %max3A_175 = arith.constant 0.000000e+00 : f32
          %max3A_176 = vector.broadcast %max3A_175 : f32 to vector<16xf32>
          %max3A_177 = arith.maximumf %sub3A_174, %max3A_176 : vector<16xf32>
          %mul3A_178 = arith.mulf %max3A_173, %max3A_177 : vector<16xf32>
          %get3A_179 = arith.index_cast %mul3A_160 : i32 to index
          %get3A_180 = tpu.vector_load %arg21[%get3A_179] {strides = array<i32>} : memref<1024xf32, #tpu.memory_space<vmem>>, vector<16xf32>,
          %add3A_181 = arith.addf %get3A_180, %gather3A_97 : vector<16xf32>
          %sub3A_182 = arith.subf %add3A_181, %mul3A_178 : vector<16xf32>
          %add3A_183 = arith.constant 9.99999993E-9 : f32
          %add3A_184 = vector.broadcast %add3A_183 : f32 to vector<16xf32>
          %add3A_185 = arith.addf %sub3A_182, %add3A_184 : vector<16xf32>
          %div3A_186 = arith.divf %mul3A_178, %add3A_185 : vector<16xf32>
          %gt3A = arith.constant 0.699999988 : f32
          %gt3A_187 = vector.broadcast %gt3A : f32 to vector<16xf32>
          %gt3A_188 = arith.cmpf ogt, %div3A_186, %gt3A_187 : vector<16xf32>
          %or3A = arith.ori %while3A_158, %gt3A_188 : vector<16xi1>
          %add3A_189 = arith.constant 16 : i32
          %add3A_190 = arith.addi %mul3A_160, %add3A_189 : i32
          %get3A_191 = arith.index_cast %add3A_190 : i32 to index
          %get3A_192 = tpu.vector_load %arg17[%get3A_191] {strides = array<i32>} : memref<1024xf32, #tpu.memory_space<vmem>>, vector<16xf32>,
          %max3A_193 = arith.maximumf %get3A_192, %gather3A : vector<16xf32>
          %get3A_194 = arith.index_cast %add3A_190 : i32 to index
          %get3A_195 = tpu.vector_load %arg18[%get3A_194] {strides = array<i32>} : memref<1024xf32, #tpu.memory_space<vmem>>, vector<16xf32>,
          %max3A_196 = arith.maximumf %get3A_195, %gather3A_94 : vector<16xf32>
          %get3A_197 = arith.index_cast %add3A_190 : i32 to index
          %get3A_198 = tpu.vector_load %arg19[%get3A_197] {strides = array<i32>} : memref<1024xf32, #tpu.memory_space<vmem>>, vector<16xf32>,
          %min3A_199 = arith.minimumf %get3A_198, %gather3A_95 : vector<16xf32>
          %get3A_200 = arith.index_cast %add3A_190 : i32 to index
          %get3A_201 = tpu.vector_load %arg20[%get3A_200] {strides = array<i32>} : memref<1024xf32, #tpu.memory_space<vmem>>, vector<16xf32>,
          %min3A_202 = arith.minimumf %get3A_201, %gather3A_96 : vector<16xf32>
          %sub3A_203 = arith.subf %min3A_199, %max3A_193 : vector<16xf32>
          %max3A_204 = arith.constant 0.000000e+00 : f32
          %max3A_205 = vector.broadcast %max3A_204 : f32 to vector<16xf32>
          %max3A_206 = arith.maximumf %sub3A_203, %max3A_205 : vector<16xf32>
          %sub3A_207 = arith.subf %min3A_202, %max3A_196 : vector<16xf32>
          %max3A_208 = arith.constant 0.000000e+00 : f32
          %max3A_209 = vector.broadcast %max3A_208 : f32 to vector<16xf32>
          %max3A_210 = arith.maximumf %sub3A_207, %max3A_209 : vector<16xf32>
          %mul3A_211 = arith.mulf %max3A_206, %max3A_210 : vector<16xf32>
          %get3A_212 = arith.index_cast %add3A_190 : i32 to index
          %get3A_213 = tpu.vector_load %arg21[%get3A_212] {strides = array<i32>} : memref<1024xf32, #tpu.memory_space<vmem>>, vector<16xf32>,
          %add3A_214 = arith.addf %get3A_213, %gather3A_97 : vector<16xf32>
          %sub3A_215 = arith.subf %add3A_214, %mul3A_211 : vector<16xf32>
          %add3A_216 = arith.constant 9.99999993E-9 : f32
          %add3A_217 = vector.broadcast %add3A_216 : f32 to vector<16xf32>
          %add3A_218 = arith.addf %sub3A_215, %add3A_217 : vector<16xf32>
          %div3A_219 = arith.divf %mul3A_211, %add3A_218 : vector<16xf32>
          %gt3A_220 = arith.constant 0.699999988 : f32
          %gt3A_221 = vector.broadcast %gt3A_220 : f32 to vector<16xf32>
          %gt3A_222 = arith.cmpf ogt, %div3A_219, %gt3A_221 : vector<16xf32>
          %or3A_223 = arith.ori %or3A, %gt3A_222 : vector<16xi1>
          scf.yield %or3A_223 : vector<16xi1>
        }
        %reduce_or3A = arith.constant 1.000000e+00 : f32
        %reduce_or3A_138 = arith.constant 0.000000e+00 : f32
        %reduce_or3A_139 = vector.broadcast %reduce_or3A : f32 to vector<16xf32>
        %reduce_or3A_140 = vector.broadcast %reduce_or3A_138 : f32 to vector<16xf32>
        %reduce_or3A_141 = arith.select %while3A_137, %reduce_or3A_139, %reduce_or3A_140 : vector<16xi1>, vector<16xf32>
        %reduce_or3A_142 = arith.constant true
        %reduce_or3A_143 = vector.broadcast %reduce_or3A_142 : i1 to vector<16xi1>
        %reduce_or3A_144 = tpu.scan <max>, %reduce_or3A_141 masked %reduce_or3A_143 : vector<16xf32>, vector<16xi1> -> vector<16xf32>
        %reduce_or3A_145 = vector.extract %reduce_or3A_144[15] : f32 from vector<16xf32>
        %reduce_or3A_146 = arith.constant 0.000000e+00 : f32
        %reduce_or3A_147 = arith.cmpf ogt, %reduce_or3A_145, %reduce_or3A_146 : f32
        %not3A = arith.constant true
        %not3A_148 = arith.xori %reduce_or3A_147, %not3A : i1
        %and3A_149 = arith.andi %not3A_148, %lt3A_99 : i1
        %broadcast_in_dim3A_150 = vector.broadcast %and3A_149 : i1 to vector<16xi1>
        %and3A_151 = arith.andi %eq3A_48, %broadcast_in_dim3A_150 : vector<16xi1>
        %broadcast_in_dim3A_152 = vector.broadcast %while3A_90 : i32 to vector<16xi32>
        tpu.vector_store_idx %arg17[%broadcast_in_dim3A_152], %gather3A masked %and3A_151 : memref<1024xf32, #tpu.memory_space<vmem>>[vector<16xi32>], vector<16xf32>, vector<16xi1>
        tpu.vector_store_idx %arg18[%broadcast_in_dim3A_152], %gather3A_94 masked %and3A_151 : memref<1024xf32, #tpu.memory_space<vmem>>[vector<16xi32>], vector<16xf32>, vector<16xi1>
        tpu.vector_store_idx %arg19[%broadcast_in_dim3A_152], %gather3A_95 masked %and3A_151 : memref<1024xf32, #tpu.memory_space<vmem>>[vector<16xi32>], vector<16xf32>, vector<16xi1>
        tpu.vector_store_idx %arg20[%broadcast_in_dim3A_152], %gather3A_96 masked %and3A_151 : memref<1024xf32, #tpu.memory_space<vmem>>[vector<16xi32>], vector<16xf32>, vector<16xi1>
        tpu.vector_store_idx %arg21[%broadcast_in_dim3A_152], %gather3A_97 masked %and3A_151 : memref<1024xf32, #tpu.memory_space<vmem>>[vector<16xi32>], vector<16xf32>, vector<16xi1>
        %jit3A_153 = arith.constant 1 : i32
        %jit3A_154 = arith.constant 0 : i32
        %select_n3A_155 = arith.select %and3A_149, %jit3A_153, %jit3A_154 : i32
        %add3A_156 = arith.addi %while3A_90, %select_n3A_155 : i32
        scf.yield %add3A_156 : i32
      }
      %while3A_87 = arith.constant 1 : i32
      %while3A_88 = scf.for %while3A_89 = %while3A_84 to %while3A_80 step %while3A_87 iter_args(%while3A_90 = %while3A_86) -> (i32)  : i32 {
        %mul3A_91 = arith.constant 16 : i32
        %mul3A_92 = arith.muli %scan3A_75, %mul3A_91 : i32
        %add3A_93 = arith.addi %mul3A_92, %while3A_89 : i32
        %broadcast_in_dim3A = vector.broadcast %add3A_93 : i32 to vector<16xi32>
        %gather3A = tpu.vector_load_idx %arg12[%broadcast_in_dim3A] : memref<6016xf32, #tpu.memory_space<vmem>>[vector<16xi32>], vector<16xf32>,
        %gather3A_94 = tpu.vector_load_idx %arg13[%broadcast_in_dim3A] : memref<6016xf32, #tpu.memory_space<vmem>>[vector<16xi32>], vector<16xf32>,
        %gather3A_95 = tpu.vector_load_idx %arg14[%broadcast_in_dim3A] : memref<6016xf32, #tpu.memory_space<vmem>>[vector<16xi32>], vector<16xf32>,
        %gather3A_96 = tpu.vector_load_idx %arg15[%broadcast_in_dim3A] : memref<6016xf32, #tpu.memory_space<vmem>>[vector<16xi32>], vector<16xf32>,
        %gather3A_97 = tpu.vector_load_idx %arg16[%broadcast_in_dim3A] : memref<6016xf32, #tpu.memory_space<vmem>>[vector<16xi32>], vector<16xf32>,
        %lt3A_98 = arith.constant 1000 : i32
        %lt3A_99 = arith.cmpi slt, %while3A_90, %lt3A_98 : i32
        %add3A_100 = arith.constant 32 : i32
        %add3A_101 = arith.addi %while3A_90, %add3A_100 : i32
        %sub3A = arith.constant 1 : i32
        %sub3A_102 = arith.subi %add3A_101, %sub3A : i32
        %jit3A_103 = arith.constant 32 : i32
        %div3A = arith.divsi %sub3A_102, %jit3A_103 : i32
        %sign3A = arith.constant 0 : i32
        %sign3A_104 = arith.cmpi sgt, %sub3A_102, %sign3A : i32
        %sign3A_105 = arith.extui %sign3A_104 : i1 to i32
        %sign3A_106 = arith.constant 0 : i32
        %sign3A_107 = arith.cmpi slt, %sub3A_102, %sign3A_106 : i32
        %sign3A_108 = arith.extui %sign3A_107 : i1 to i32
        %sign3A_109 = arith.subi %sign3A_105, %sign3A_108 : i32
        %sign3A_110 = arith.constant 0 : i32
        %sign3A_111 = arith.cmpi sgt, %jit3A_103, %sign3A_110 : i32
        %sign3A_112 = arith.extui %sign3A_111 : i1 to i32
        %sign3A_113 = arith.constant 0 : i32
        %sign3A_114 = arith.cmpi slt, %jit3A_103, %sign3A_113 : i32
        %sign3A_115 = arith.extui %sign3A_114 : i1 to i32
        %sign3A_116 = arith.subi %sign3A_112, %sign3A_115 : i32
        %ne3A = arith.cmpi ne, %sign3A_109, %sign3A_116 : i32
        %rem3A_117 = arith.remsi %sub3A_102, %jit3A_103 : i32
        %ne3A_118 = arith.constant 0 : i32
        %ne3A_119 = arith.cmpi ne, %rem3A_117, %ne3A_118 : i32
        %and3A = arith.andi %ne3A, %ne3A_119 : i1
        %sub3A_120 = arith.constant 1 : i32
        %sub3A_121 = arith.subi %div3A, %sub3A_120 : i32
        %select_n3A_122 = arith.select %and3A, %sub3A_121, %div3A : i32
        %jit3A_123 = arith.constant 0 : i32
        %select_n3A_124 = arith.select %lt3A_99, %select_n3A_122, %jit3A_123 : i32
        %broadcast_in_dim3A_125 = arith.constant false
        %broadcast_in_dim3A_126 = vector.broadcast %broadcast_in_dim3A_125 : i1 to vector<16xi1>
        %while3A_127 = arith.constant 0 : i32
        %while3A_128 = arith.subi %select_n3A_124, %while3A_127 : i32
        %while3A_129 = arith.addi %while3A_127, %while3A_128 : i32
        %while3A_130 = arith.constant 1 : i32
        %while3A_131 = arith.divsi %while3A_128, %while3A_130 : i32
        %while3A_132 = arith.muli %while3A_131, %while3A_130 : i32
        %while3A_133 = arith.addi %while3A_127, %while3A_132 : i32
        %while3A_134 = arith.constant 1 : i32
        %while3A_135 = scf.for %while3A_157 = %while3A_127 to %while3A_133 step %while3A_134 iter_args(%while3A_158 = %broadcast_in_dim3A_126) -> (vector<16xi1>)  : i32 {
          %mul3A_159 = arith.constant 32 : i32
          %mul3A_160 = arith.muli %while3A_157, %mul3A_159 : i32
          %get3A = arith.index_cast %mul3A_160 : i32 to index
          %get3A_161 = tpu.vector_load %arg17[%get3A] {strides = array<i32>} : memref<1024xf32, #tpu.memory_space<vmem>>, vector<16xf32>,
          %max3A = arith.maximumf %get3A_161, %gather3A : vector<16xf32>
          %get3A_162 = arith.index_cast %mul3A_160 : i32 to index
          %get3A_163 = tpu.vector_load %arg18[%get3A_162] {strides = array<i32>} : memref<1024xf32, #tpu.memory_space<vmem>>, vector<16xf32>,
          %max3A_164 = arith.maximumf %get3A_163, %gather3A_94 : vector<16xf32>
          %get3A_165 = arith.index_cast %mul3A_160 : i32 to index
          %get3A_166 = tpu.vector_load %arg19[%get3A_165] {strides = array<i32>} : memref<1024xf32, #tpu.memory_space<vmem>>, vector<16xf32>,
          %min3A = arith.minimumf %get3A_166, %gather3A_95 : vector<16xf32>
          %get3A_167 = arith.index_cast %mul3A_160 : i32 to index
          %get3A_168 = tpu.vector_load %arg20[%get3A_167] {strides = array<i32>} : memref<1024xf32, #tpu.memory_space<vmem>>, vector<16xf32>,
          %min3A_169 = arith.minimumf %get3A_168, %gather3A_96 : vector<16xf32>
          %sub3A_170 = arith.subf %min3A, %max3A : vector<16xf32>
          %max3A_171 = arith.constant 0.000000e+00 : f32
          %max3A_172 = vector.broadcast %max3A_171 : f32 to vector<16xf32>
          %max3A_173 = arith.maximumf %sub3A_170, %max3A_172 : vector<16xf32>
          %sub3A_174 = arith.subf %min3A_169, %max3A_164 : vector<16xf32>
          %max3A_175 = arith.constant 0.000000e+00 : f32
          %max3A_176 = vector.broadcast %max3A_175 : f32 to vector<16xf32>
          %max3A_177 = arith.maximumf %sub3A_174, %max3A_176 : vector<16xf32>
          %mul3A_178 = arith.mulf %max3A_173, %max3A_177 : vector<16xf32>
          %get3A_179 = arith.index_cast %mul3A_160 : i32 to index
          %get3A_180 = tpu.vector_load %arg21[%get3A_179] {strides = array<i32>} : memref<1024xf32, #tpu.memory_space<vmem>>, vector<16xf32>,
          %add3A_181 = arith.addf %get3A_180, %gather3A_97 : vector<16xf32>
          %sub3A_182 = arith.subf %add3A_181, %mul3A_178 : vector<16xf32>
          %add3A_183 = arith.constant 9.99999993E-9 : f32
          %add3A_184 = vector.broadcast %add3A_183 : f32 to vector<16xf32>
          %add3A_185 = arith.addf %sub3A_182, %add3A_184 : vector<16xf32>
          %div3A_186 = arith.divf %mul3A_178, %add3A_185 : vector<16xf32>
          %gt3A = arith.constant 0.699999988 : f32
          %gt3A_187 = vector.broadcast %gt3A : f32 to vector<16xf32>
          %gt3A_188 = arith.cmpf ogt, %div3A_186, %gt3A_187 : vector<16xf32>
          %or3A = arith.ori %while3A_158, %gt3A_188 : vector<16xi1>
          %add3A_189 = arith.constant 16 : i32
          %add3A_190 = arith.addi %mul3A_160, %add3A_189 : i32
          %get3A_191 = arith.index_cast %add3A_190 : i32 to index
          %get3A_192 = tpu.vector_load %arg17[%get3A_191] {strides = array<i32>} : memref<1024xf32, #tpu.memory_space<vmem>>, vector<16xf32>,
          %max3A_193 = arith.maximumf %get3A_192, %gather3A : vector<16xf32>
          %get3A_194 = arith.index_cast %add3A_190 : i32 to index
          %get3A_195 = tpu.vector_load %arg18[%get3A_194] {strides = array<i32>} : memref<1024xf32, #tpu.memory_space<vmem>>, vector<16xf32>,
          %max3A_196 = arith.maximumf %get3A_195, %gather3A_94 : vector<16xf32>
          %get3A_197 = arith.index_cast %add3A_190 : i32 to index
          %get3A_198 = tpu.vector_load %arg19[%get3A_197] {strides = array<i32>} : memref<1024xf32, #tpu.memory_space<vmem>>, vector<16xf32>,
          %min3A_199 = arith.minimumf %get3A_198, %gather3A_95 : vector<16xf32>
          %get3A_200 = arith.index_cast %add3A_190 : i32 to index
          %get3A_201 = tpu.vector_load %arg20[%get3A_200] {strides = array<i32>} : memref<1024xf32, #tpu.memory_space<vmem>>, vector<16xf32>,
          %min3A_202 = arith.minimumf %get3A_201, %gather3A_96 : vector<16xf32>
          %sub3A_203 = arith.subf %min3A_199, %max3A_193 : vector<16xf32>
          %max3A_204 = arith.constant 0.000000e+00 : f32
          %max3A_205 = vector.broadcast %max3A_204 : f32 to vector<16xf32>
          %max3A_206 = arith.maximumf %sub3A_203, %max3A_205 : vector<16xf32>
          %sub3A_207 = arith.subf %min3A_202, %max3A_196 : vector<16xf32>
          %max3A_208 = arith.constant 0.000000e+00 : f32
          %max3A_209 = vector.broadcast %max3A_208 : f32 to vector<16xf32>
          %max3A_210 = arith.maximumf %sub3A_207, %max3A_209 : vector<16xf32>
          %mul3A_211 = arith.mulf %max3A_206, %max3A_210 : vector<16xf32>
          %get3A_212 = arith.index_cast %add3A_190 : i32 to index
          %get3A_213 = tpu.vector_load %arg21[%get3A_212] {strides = array<i32>} : memref<1024xf32, #tpu.memory_space<vmem>>, vector<16xf32>,
          %add3A_214 = arith.addf %get3A_213, %gather3A_97 : vector<16xf32>
          %sub3A_215 = arith.subf %add3A_214, %mul3A_211 : vector<16xf32>
          %add3A_216 = arith.constant 9.99999993E-9 : f32
          %add3A_217 = vector.broadcast %add3A_216 : f32 to vector<16xf32>
          %add3A_218 = arith.addf %sub3A_215, %add3A_217 : vector<16xf32>
          %div3A_219 = arith.divf %mul3A_211, %add3A_218 : vector<16xf32>
          %gt3A_220 = arith.constant 0.699999988 : f32
          %gt3A_221 = vector.broadcast %gt3A_220 : f32 to vector<16xf32>
          %gt3A_222 = arith.cmpf ogt, %div3A_219, %gt3A_221 : vector<16xf32>
          %or3A_223 = arith.ori %or3A, %gt3A_222 : vector<16xi1>
          scf.yield %or3A_223 : vector<16xi1>
        }
        %while3A_136 = arith.constant 1 : i32
        %while3A_137 = scf.for %while3A_157 = %while3A_133 to %while3A_129 step %while3A_136 iter_args(%while3A_158 = %while3A_135) -> (vector<16xi1>)  : i32 {
          %mul3A_159 = arith.constant 32 : i32
          %mul3A_160 = arith.muli %while3A_157, %mul3A_159 : i32
          %get3A = arith.index_cast %mul3A_160 : i32 to index
          %get3A_161 = tpu.vector_load %arg17[%get3A] {strides = array<i32>} : memref<1024xf32, #tpu.memory_space<vmem>>, vector<16xf32>,
          %max3A = arith.maximumf %get3A_161, %gather3A : vector<16xf32>
          %get3A_162 = arith.index_cast %mul3A_160 : i32 to index
          %get3A_163 = tpu.vector_load %arg18[%get3A_162] {strides = array<i32>} : memref<1024xf32, #tpu.memory_space<vmem>>, vector<16xf32>,
          %max3A_164 = arith.maximumf %get3A_163, %gather3A_94 : vector<16xf32>
          %get3A_165 = arith.index_cast %mul3A_160 : i32 to index
          %get3A_166 = tpu.vector_load %arg19[%get3A_165] {strides = array<i32>} : memref<1024xf32, #tpu.memory_space<vmem>>, vector<16xf32>,
          %min3A = arith.minimumf %get3A_166, %gather3A_95 : vector<16xf32>
          %get3A_167 = arith.index_cast %mul3A_160 : i32 to index
          %get3A_168 = tpu.vector_load %arg20[%get3A_167] {strides = array<i32>} : memref<1024xf32, #tpu.memory_space<vmem>>, vector<16xf32>,
          %min3A_169 = arith.minimumf %get3A_168, %gather3A_96 : vector<16xf32>
          %sub3A_170 = arith.subf %min3A, %max3A : vector<16xf32>
          %max3A_171 = arith.constant 0.000000e+00 : f32
          %max3A_172 = vector.broadcast %max3A_171 : f32 to vector<16xf32>
          %max3A_173 = arith.maximumf %sub3A_170, %max3A_172 : vector<16xf32>
          %sub3A_174 = arith.subf %min3A_169, %max3A_164 : vector<16xf32>
          %max3A_175 = arith.constant 0.000000e+00 : f32
          %max3A_176 = vector.broadcast %max3A_175 : f32 to vector<16xf32>
          %max3A_177 = arith.maximumf %sub3A_174, %max3A_176 : vector<16xf32>
          %mul3A_178 = arith.mulf %max3A_173, %max3A_177 : vector<16xf32>
          %get3A_179 = arith.index_cast %mul3A_160 : i32 to index
          %get3A_180 = tpu.vector_load %arg21[%get3A_179] {strides = array<i32>} : memref<1024xf32, #tpu.memory_space<vmem>>, vector<16xf32>,
          %add3A_181 = arith.addf %get3A_180, %gather3A_97 : vector<16xf32>
          %sub3A_182 = arith.subf %add3A_181, %mul3A_178 : vector<16xf32>
          %add3A_183 = arith.constant 9.99999993E-9 : f32
          %add3A_184 = vector.broadcast %add3A_183 : f32 to vector<16xf32>
          %add3A_185 = arith.addf %sub3A_182, %add3A_184 : vector<16xf32>
          %div3A_186 = arith.divf %mul3A_178, %add3A_185 : vector<16xf32>
          %gt3A = arith.constant 0.699999988 : f32
          %gt3A_187 = vector.broadcast %gt3A : f32 to vector<16xf32>
          %gt3A_188 = arith.cmpf ogt, %div3A_186, %gt3A_187 : vector<16xf32>
          %or3A = arith.ori %while3A_158, %gt3A_188 : vector<16xi1>
          %add3A_189 = arith.constant 16 : i32
          %add3A_190 = arith.addi %mul3A_160, %add3A_189 : i32
          %get3A_191 = arith.index_cast %add3A_190 : i32 to index
          %get3A_192 = tpu.vector_load %arg17[%get3A_191] {strides = array<i32>} : memref<1024xf32, #tpu.memory_space<vmem>>, vector<16xf32>,
          %max3A_193 = arith.maximumf %get3A_192, %gather3A : vector<16xf32>
          %get3A_194 = arith.index_cast %add3A_190 : i32 to index
          %get3A_195 = tpu.vector_load %arg18[%get3A_194] {strides = array<i32>} : memref<1024xf32, #tpu.memory_space<vmem>>, vector<16xf32>,
          %max3A_196 = arith.maximumf %get3A_195, %gather3A_94 : vector<16xf32>
          %get3A_197 = arith.index_cast %add3A_190 : i32 to index
          %get3A_198 = tpu.vector_load %arg19[%get3A_197] {strides = array<i32>} : memref<1024xf32, #tpu.memory_space<vmem>>, vector<16xf32>,
          %min3A_199 = arith.minimumf %get3A_198, %gather3A_95 : vector<16xf32>
          %get3A_200 = arith.index_cast %add3A_190 : i32 to index
          %get3A_201 = tpu.vector_load %arg20[%get3A_200] {strides = array<i32>} : memref<1024xf32, #tpu.memory_space<vmem>>, vector<16xf32>,
          %min3A_202 = arith.minimumf %get3A_201, %gather3A_96 : vector<16xf32>
          %sub3A_203 = arith.subf %min3A_199, %max3A_193 : vector<16xf32>
          %max3A_204 = arith.constant 0.000000e+00 : f32
          %max3A_205 = vector.broadcast %max3A_204 : f32 to vector<16xf32>
          %max3A_206 = arith.maximumf %sub3A_203, %max3A_205 : vector<16xf32>
          %sub3A_207 = arith.subf %min3A_202, %max3A_196 : vector<16xf32>
          %max3A_208 = arith.constant 0.000000e+00 : f32
          %max3A_209 = vector.broadcast %max3A_208 : f32 to vector<16xf32>
          %max3A_210 = arith.maximumf %sub3A_207, %max3A_209 : vector<16xf32>
          %mul3A_211 = arith.mulf %max3A_206, %max3A_210 : vector<16xf32>
          %get3A_212 = arith.index_cast %add3A_190 : i32 to index
          %get3A_213 = tpu.vector_load %arg21[%get3A_212] {strides = array<i32>} : memref<1024xf32, #tpu.memory_space<vmem>>, vector<16xf32>,
          %add3A_214 = arith.addf %get3A_213, %gather3A_97 : vector<16xf32>
          %sub3A_215 = arith.subf %add3A_214, %mul3A_211 : vector<16xf32>
          %add3A_216 = arith.constant 9.99999993E-9 : f32
          %add3A_217 = vector.broadcast %add3A_216 : f32 to vector<16xf32>
          %add3A_218 = arith.addf %sub3A_215, %add3A_217 : vector<16xf32>
          %div3A_219 = arith.divf %mul3A_211, %add3A_218 : vector<16xf32>
          %gt3A_220 = arith.constant 0.699999988 : f32
          %gt3A_221 = vector.broadcast %gt3A_220 : f32 to vector<16xf32>
          %gt3A_222 = arith.cmpf ogt, %div3A_219, %gt3A_221 : vector<16xf32>
          %or3A_223 = arith.ori %or3A, %gt3A_222 : vector<16xi1>
          scf.yield %or3A_223 : vector<16xi1>
        }
        %reduce_or3A = arith.constant 1.000000e+00 : f32
        %reduce_or3A_138 = arith.constant 0.000000e+00 : f32
        %reduce_or3A_139 = vector.broadcast %reduce_or3A : f32 to vector<16xf32>
        %reduce_or3A_140 = vector.broadcast %reduce_or3A_138 : f32 to vector<16xf32>
        %reduce_or3A_141 = arith.select %while3A_137, %reduce_or3A_139, %reduce_or3A_140 : vector<16xi1>, vector<16xf32>
        %reduce_or3A_142 = arith.constant true
        %reduce_or3A_143 = vector.broadcast %reduce_or3A_142 : i1 to vector<16xi1>
        %reduce_or3A_144 = tpu.scan <max>, %reduce_or3A_141 masked %reduce_or3A_143 : vector<16xf32>, vector<16xi1> -> vector<16xf32>
        %reduce_or3A_145 = vector.extract %reduce_or3A_144[15] : f32 from vector<16xf32>
        %reduce_or3A_146 = arith.constant 0.000000e+00 : f32
        %reduce_or3A_147 = arith.cmpf ogt, %reduce_or3A_145, %reduce_or3A_146 : f32
        %not3A = arith.constant true
        %not3A_148 = arith.xori %reduce_or3A_147, %not3A : i1
        %and3A_149 = arith.andi %not3A_148, %lt3A_99 : i1
        %broadcast_in_dim3A_150 = vector.broadcast %and3A_149 : i1 to vector<16xi1>
        %and3A_151 = arith.andi %eq3A_48, %broadcast_in_dim3A_150 : vector<16xi1>
        %broadcast_in_dim3A_152 = vector.broadcast %while3A_90 : i32 to vector<16xi32>
        tpu.vector_store_idx %arg17[%broadcast_in_dim3A_152], %gather3A masked %and3A_151 : memref<1024xf32, #tpu.memory_space<vmem>>[vector<16xi32>], vector<16xf32>, vector<16xi1>
        tpu.vector_store_idx %arg18[%broadcast_in_dim3A_152], %gather3A_94 masked %and3A_151 : memref<1024xf32, #tpu.memory_space<vmem>>[vector<16xi32>], vector<16xf32>, vector<16xi1>
        tpu.vector_store_idx %arg19[%broadcast_in_dim3A_152], %gather3A_95 masked %and3A_151 : memref<1024xf32, #tpu.memory_space<vmem>>[vector<16xi32>], vector<16xf32>, vector<16xi1>
        tpu.vector_store_idx %arg20[%broadcast_in_dim3A_152], %gather3A_96 masked %and3A_151 : memref<1024xf32, #tpu.memory_space<vmem>>[vector<16xi32>], vector<16xf32>, vector<16xi1>
        tpu.vector_store_idx %arg21[%broadcast_in_dim3A_152], %gather3A_97 masked %and3A_151 : memref<1024xf32, #tpu.memory_space<vmem>>[vector<16xi32>], vector<16xf32>, vector<16xi1>
        %jit3A_153 = arith.constant 1 : i32
        %jit3A_154 = arith.constant 0 : i32
        %select_n3A_155 = arith.select %and3A_149, %jit3A_153, %jit3A_154 : i32
        %add3A_156 = arith.addi %while3A_90, %select_n3A_155 : i32
        scf.yield %add3A_156 : i32
      }
      scf.yield %while3A_88 : i32
    }
    %scan3A_55 = arith.constant 375 : i32
    %scan3A_56 = arith.constant 0 : i32
    %scan3A_57 = arith.constant 0 : i32
    %scan3A_58 = arith.constant 64 : i32
    %scan3A_59 = arith.addi %scan3A_57, %scan3A_58 : i32
    %scan3A_60 = arith.constant 1 : i32
    %scan3A_61 = scf.for %scan3A_75 = %scan3A_57 to %scan3A_59 step %scan3A_60 iter_args(%scan3A_76 = %scan3A_56) -> (i32)  : i32 {
      %mul3A_77 = arith.constant 16 : i32
      %mul3A_78 = arith.muli %scan3A_75, %mul3A_77 : i32
      %mul3A_79 = arith.constant 16 : i32
      %mul3A_80 = arith.muli %scan3A_75, %mul3A_79 : i32
      %add3A_81 = vector.broadcast %mul3A_80 : i32 to vector<16xi32>
      %add3A_82 = arith.addi %add3A_81, %iota3A : vector<16xi32>
      %lt3A = vector.broadcast %scan3A_54 : i32 to vector<16xi32>
      %lt3A_83 = arith.cmpi slt, %add3A_82, %lt3A : vector<16xi32>
      %broadcast_in_dim3A = arith.constant 0.000000e+00 : f32
      %broadcast_in_dim3A_84 = vector.broadcast %broadcast_in_dim3A : f32 to vector<16xf32>
      %get3A = arith.index_cast %mul3A_78 : i32 to index
      %get3A_85 = tpu.vector_load %arg17[%get3A] {strides = array<i32>} : memref<1024xf32, #tpu.memory_space<vmem>>, vector<16xf32>,
      %select_n3A = arith.select %lt3A_83, %get3A_85, %broadcast_in_dim3A_84 : vector<16xi1>, vector<16xf32>
      %swap3A = arith.index_cast %mul3A_78 : i32 to index
      %swap3A_86 = tpu.vector_load %arg17[%swap3A] {strides = array<i32>} : memref<1024xf32, #tpu.memory_space<vmem>>, vector<16xf32>,
      tpu.vector_store %arg17[%swap3A], %select_n3A {strides = array<i32>} : memref<1024xf32, #tpu.memory_space<vmem>>, vector<16xf32>,
      %get3A_87 = arith.index_cast %mul3A_78 : i32 to index
      %get3A_88 = tpu.vector_load %arg18[%get3A_87] {strides = array<i32>} : memref<1024xf32, #tpu.memory_space<vmem>>, vector<16xf32>,
      %select_n3A_89 = arith.select %lt3A_83, %get3A_88, %broadcast_in_dim3A_84 : vector<16xi1>, vector<16xf32>
      %swap3A_90 = arith.index_cast %mul3A_78 : i32 to index
      %swap3A_91 = tpu.vector_load %arg18[%swap3A_90] {strides = array<i32>} : memref<1024xf32, #tpu.memory_space<vmem>>, vector<16xf32>,
      tpu.vector_store %arg18[%swap3A_90], %select_n3A_89 {strides = array<i32>} : memref<1024xf32, #tpu.memory_space<vmem>>, vector<16xf32>,
      %get3A_92 = arith.index_cast %mul3A_78 : i32 to index
      %get3A_93 = tpu.vector_load %arg19[%get3A_92] {strides = array<i32>} : memref<1024xf32, #tpu.memory_space<vmem>>, vector<16xf32>,
      %select_n3A_94 = arith.select %lt3A_83, %get3A_93, %broadcast_in_dim3A_84 : vector<16xi1>, vector<16xf32>
      %swap3A_95 = arith.index_cast %mul3A_78 : i32 to index
      %swap3A_96 = tpu.vector_load %arg19[%swap3A_95] {strides = array<i32>} : memref<1024xf32, #tpu.memory_space<vmem>>, vector<16xf32>,
      tpu.vector_store %arg19[%swap3A_95], %select_n3A_94 {strides = array<i32>} : memref<1024xf32, #tpu.memory_space<vmem>>, vector<16xf32>,
      %get3A_97 = arith.index_cast %mul3A_78 : i32 to index
      %get3A_98 = tpu.vector_load %arg20[%get3A_97] {strides = array<i32>} : memref<1024xf32, #tpu.memory_space<vmem>>, vector<16xf32>,
      %select_n3A_99 = arith.select %lt3A_83, %get3A_98, %broadcast_in_dim3A_84 : vector<16xi1>, vector<16xf32>
      %swap3A_100 = arith.index_cast %mul3A_78 : i32 to index
      %swap3A_101 = tpu.vector_load %arg20[%swap3A_100] {strides = array<i32>} : memref<1024xf32, #tpu.memory_space<vmem>>, vector<16xf32>,
      tpu.vector_store %arg20[%swap3A_100], %select_n3A_99 {strides = array<i32>} : memref<1024xf32, #tpu.memory_space<vmem>>, vector<16xf32>,
      %scan3A_102 = arith.constant 0 : i32
      scf.yield %scan3A_102 : i32
    }
    %scan3A_62 = arith.constant 64 : i32
    %mul3A_63 = arith.constant 5 : i32
    %mul3A_64 = arith.muli %add3A, %mul3A_63 : i32
    %mul3A_65 = arith.constant 1024 : i32
    %mul3A_66 = arith.muli %mul3A_64, %mul3A_65 : i32
    "tpu.region"() ({
      %run_scoped3A = tpu.sem_alloc : memref<!tpu.dma_semaphore, #tpu.memory_space<semaphore_mem>>
      %dma_start3A = tpu.memref_slice %arg3[%mul3A_66] : memref<163840xf32, #tpu.memory_space<hbm>> -> memref<1024xf32, #tpu.memory_space<hbm>>
      %dma_start3A_75 = tpu.memref_slice %arg3[%mul3A_66] : memref<163840xf32, #tpu.memory_space<hbm>> -> memref<1024xf32, #tpu.memory_space<hbm>>
      tpu.enqueue_dma source(%arg22 : memref<1024xf32, #tpu.memory_space<vmem>>) target(%dma_start3A_75 : memref<1024xf32, #tpu.memory_space<hbm>>) target_semaphore(%run_scoped3A : memref<!tpu.dma_semaphore, #tpu.memory_space<semaphore_mem>>)
      %dma_wait3A = tpu.memref_slice %arg3[%mul3A_66] : memref<163840xf32, #tpu.memory_space<hbm>> -> memref<1024xf32, #tpu.memory_space<hbm>>
      %dma_wait3A_76 = tpu.memref_slice %arg3[%mul3A_66] : memref<163840xf32, #tpu.memory_space<hbm>> -> memref<1024xf32, #tpu.memory_space<hbm>>
      tpu.wait_dma2 semaphore(%run_scoped3A : memref<!tpu.dma_semaphore, #tpu.memory_space<semaphore_mem>>) src(%arg22 : memref<1024xf32, #tpu.memory_space<vmem>>) dst(%dma_wait3A_76 : memref<1024xf32, #tpu.memory_space<hbm>>)
      tpu.yield
    }) : () -> ()
    %add3A_67 = arith.constant 1024 : i32
    %add3A_68 = arith.addi %mul3A_66, %add3A_67 : i32
    "tpu.region"() ({
      %run_scoped3A = tpu.sem_alloc : memref<!tpu.dma_semaphore, #tpu.memory_space<semaphore_mem>>
      %dma_start3A = tpu.memref_slice %arg3[%add3A_68] : memref<163840xf32, #tpu.memory_space<hbm>> -> memref<1024xf32, #tpu.memory_space<hbm>>
      %dma_start3A_75 = tpu.memref_slice %arg3[%add3A_68] : memref<163840xf32, #tpu.memory_space<hbm>> -> memref<1024xf32, #tpu.memory_space<hbm>>
      tpu.enqueue_dma source(%arg17 : memref<1024xf32, #tpu.memory_space<vmem>>) target(%dma_start3A_75 : memref<1024xf32, #tpu.memory_space<hbm>>) target_semaphore(%run_scoped3A : memref<!tpu.dma_semaphore, #tpu.memory_space<semaphore_mem>>)
      %dma_wait3A = tpu.memref_slice %arg3[%add3A_68] : memref<163840xf32, #tpu.memory_space<hbm>> -> memref<1024xf32, #tpu.memory_space<hbm>>
      %dma_wait3A_76 = tpu.memref_slice %arg3[%add3A_68] : memref<163840xf32, #tpu.memory_space<hbm>> -> memref<1024xf32, #tpu.memory_space<hbm>>
      tpu.wait_dma2 semaphore(%run_scoped3A : memref<!tpu.dma_semaphore, #tpu.memory_space<semaphore_mem>>) src(%arg17 : memref<1024xf32, #tpu.memory_space<vmem>>) dst(%dma_wait3A_76 : memref<1024xf32, #tpu.memory_space<hbm>>)
      tpu.yield
    }) : () -> ()
    %add3A_69 = arith.constant 2048 : i32
    %add3A_70 = arith.addi %mul3A_66, %add3A_69 : i32
    "tpu.region"() ({
      %run_scoped3A = tpu.sem_alloc : memref<!tpu.dma_semaphore, #tpu.memory_space<semaphore_mem>>
      %dma_start3A = tpu.memref_slice %arg3[%add3A_70] : memref<163840xf32, #tpu.memory_space<hbm>> -> memref<1024xf32, #tpu.memory_space<hbm>>
      %dma_start3A_75 = tpu.memref_slice %arg3[%add3A_70] : memref<163840xf32, #tpu.memory_space<hbm>> -> memref<1024xf32, #tpu.memory_space<hbm>>
      tpu.enqueue_dma source(%arg18 : memref<1024xf32, #tpu.memory_space<vmem>>) target(%dma_start3A_75 : memref<1024xf32, #tpu.memory_space<hbm>>) target_semaphore(%run_scoped3A : memref<!tpu.dma_semaphore, #tpu.memory_space<semaphore_mem>>)
      %dma_wait3A = tpu.memref_slice %arg3[%add3A_70] : memref<163840xf32, #tpu.memory_space<hbm>> -> memref<1024xf32, #tpu.memory_space<hbm>>
      %dma_wait3A_76 = tpu.memref_slice %arg3[%add3A_70] : memref<163840xf32, #tpu.memory_space<hbm>> -> memref<1024xf32, #tpu.memory_space<hbm>>
      tpu.wait_dma2 semaphore(%run_scoped3A : memref<!tpu.dma_semaphore, #tpu.memory_space<semaphore_mem>>) src(%arg18 : memref<1024xf32, #tpu.memory_space<vmem>>) dst(%dma_wait3A_76 : memref<1024xf32, #tpu.memory_space<hbm>>)
      tpu.yield
    }) : () -> ()
    %add3A_71 = arith.constant 3072 : i32
    %add3A_72 = arith.addi %mul3A_66, %add3A_71 : i32
    "tpu.region"() ({
      %run_scoped3A = tpu.sem_alloc : memref<!tpu.dma_semaphore, #tpu.memory_space<semaphore_mem>>
      %dma_start3A = tpu.memref_slice %arg3[%add3A_72] : memref<163840xf32, #tpu.memory_space<hbm>> -> memref<1024xf32, #tpu.memory_space<hbm>>
      %dma_start3A_75 = tpu.memref_slice %arg3[%add3A_72] : memref<163840xf32, #tpu.memory_space<hbm>> -> memref<1024xf32, #tpu.memory_space<hbm>>
      tpu.enqueue_dma source(%arg19 : memref<1024xf32, #tpu.memory_space<vmem>>) target(%dma_start3A_75 : memref<1024xf32, #tpu.memory_space<hbm>>) target_semaphore(%run_scoped3A : memref<!tpu.dma_semaphore, #tpu.memory_space<semaphore_mem>>)
      %dma_wait3A = tpu.memref_slice %arg3[%add3A_72] : memref<163840xf32, #tpu.memory_space<hbm>> -> memref<1024xf32, #tpu.memory_space<hbm>>
      %dma_wait3A_76 = tpu.memref_slice %arg3[%add3A_72] : memref<163840xf32, #tpu.memory_space<hbm>> -> memref<1024xf32, #tpu.memory_space<hbm>>
      tpu.wait_dma2 semaphore(%run_scoped3A : memref<!tpu.dma_semaphore, #tpu.memory_space<semaphore_mem>>) src(%arg19 : memref<1024xf32, #tpu.memory_space<vmem>>) dst(%dma_wait3A_76 : memref<1024xf32, #tpu.memory_space<hbm>>)
      tpu.yield
    }) : () -> ()
    %add3A_73 = arith.constant 4096 : i32
    %add3A_74 = arith.addi %mul3A_66, %add3A_73 : i32
    "tpu.region"() ({
      %run_scoped3A = tpu.sem_alloc : memref<!tpu.dma_semaphore, #tpu.memory_space<semaphore_mem>>
      %dma_start3A = tpu.memref_slice %arg3[%add3A_74] : memref<163840xf32, #tpu.memory_space<hbm>> -> memref<1024xf32, #tpu.memory_space<hbm>>
      %dma_start3A_75 = tpu.memref_slice %arg3[%add3A_74] : memref<163840xf32, #tpu.memory_space<hbm>> -> memref<1024xf32, #tpu.memory_space<hbm>>
      tpu.enqueue_dma source(%arg20 : memref<1024xf32, #tpu.memory_space<vmem>>) target(%dma_start3A_75 : memref<1024xf32, #tpu.memory_space<hbm>>) target_semaphore(%run_scoped3A : memref<!tpu.dma_semaphore, #tpu.memory_space<semaphore_mem>>)
      %dma_wait3A = tpu.memref_slice %arg3[%add3A_74] : memref<163840xf32, #tpu.memory_space<hbm>> -> memref<1024xf32, #tpu.memory_space<hbm>>
      %dma_wait3A_76 = tpu.memref_slice %arg3[%add3A_74] : memref<163840xf32, #tpu.memory_space<hbm>> -> memref<1024xf32, #tpu.memory_space<hbm>>
      tpu.wait_dma2 semaphore(%run_scoped3A : memref<!tpu.dma_semaphore, #tpu.memory_space<semaphore_mem>>) src(%arg20 : memref<1024xf32, #tpu.memory_space<vmem>>) dst(%dma_wait3A_76 : memref<1024xf32, #tpu.memory_space<hbm>>)
      tpu.yield
    }) : () -> ()
    return
  }
}

</mosaic_0001>

<sc_bundles>
// kernel: gather_offload_async_start.1
scs
__scs_entry_jumppad:
0x0: {  	(pc) =	sbr.rel $0x88, $3  }
0x1: {  	(tag) =	ssettag $0x0;
	lr =	simm.s32 $0x1  }
0x2: {  	[smem:$0x3F9F] =	sst lr;
	_ =	strace $0xD0000000  }
0x3: {  	_ = 	snop  }
0x4: {  	_ = 	snop  }
0x5: {  	_ = 	snop  }
0x6: {  	_ = 	snop  }
0x7: {  	_ = 	snop  }
__scs_overlays_trampoline_lowered:
0x8: {  	[smem:$0x3FAE] =	sst s0  }
0x9: {  	[smem:$0x3FAF] =	sst s1  }
0xa: {  	[smem:$0x3FB0] =	sst s2  }
0xb: {  	[smem:$0x3FB1] =	sst s3  }
0xc: {  	[smem:$0x3FB2] =	sst s4  }
0xd: {  	[smem:$0x3FB3] =	sst s5  }
0xe: {  	[smem:$0x3FB4] =	sst s6  }
0xf: {  	[smem:$0x3FB5] =	sst s7  }
0x10: {  	[smem:$0x3FB6] =	sst s8  }
0x11: {  	[smem:$0x3FB7] =	sst s9;
	s0 =	simm.s32 @!p0 $0x0  }
0x12: {  	s1 =	sld [smem:$0x3F9D];
	s0 =	simm.s32 @p0 $0x1  }
0x13: {  	[smem:$0x3FB8] =	sst s0;
	s0 =	simm.s32 @!p1 $0x0  }
0x14: {  	s2 =	sld [smem:$0x3F9C];
	s0 =	simm.s32 @p1 $0x1  }
0x15: {  	[smem:$0x3FB9] =	sst s0;
	s0 =	simm.s32 @!p2 $0x0  }
0x16: {  	s3 =	sld [smem:$0x3FDB];
	s0 =	simm.s32 @p2 $0x1  }
0x17: {  	s4 =	simm.s32 $0x1BF5;
	[smem:$0x3FBB] =	sst s0  }
0x18: {  	s0 =	sld [smem:$0x3F9E];
	_ =	swait.ge [sflag:s4], $0x0  }
0x19: {  	s7 =	sld [smem:$0x3F9F]  }
0x1a: {  	s8 =	sadd.s32 $0xFFFFE003, lr  }
0x1b: {  	s9 =	sadd.s32 $0xFFFFFEF7, lr;
	s5 =	simm.s32 $0xFFFFFFFF;
	p2 =	slt.u32 s8, $0xFFFFF086  }
0x1c: {  	p1 =	slt.u32 s9, $0xF7A;
	s5 =	simm.s32 @!p2 $0x0  }
0x1d: {  	s5 =	simm.s32 @p1 $0x1;
	p0 =	seq.s32 s7, s2  }
0x1e: {  	s7 =	smul.u32 @!p0 $0xF7A, s2;
	p2 =	seq.s32 @!p0 s5, $0x0  }
0x1f: {  	s9 =	smul.u32 $0xF7A, s1;
	s8 =	simm.s32 @!p0 $0x1BF5;
	p2 =	por !p2, p0  }
0x20: {  	[sflag:s8] =	ssyncset.s32 @!p0 $0xFFFFF086;
	s6 =	sadd.s32 @!p0 s3, s7;
	s7 =	simm.s32 @!p0 $0x108  }
0x21: {  	s3 =	sadd.s32 s3, s9;
	s6 =	sadd.s32 @!p0 $0x88, s6;
	s7 =	simm.s32 @p2 $0x1082  }
0x22: {  	[simem:s7], [sflag:s8] =	dma.local @!p0 [hbm:s6], $0xF7A  }
0x23: {  	s9 =	sor.u32 $0xD0000000, s2;
	s6 =	simm.s32 $0x108;
	_ =	swait.ge @!p0 [sflag:s8], $0x0  }
0x24: {  	s3 =	sadd.s32 $0x88, s3;
	s6 =	simm.s32 @!p1 $0x1082;
	[sflag:s4] =	ssyncset.s32 $0xFFFFF086  }
0x25: {  	[simem:s6], [sflag:s4] =	dma.local [hbm:s3], $0xF7A  }
0x26: {  	[smem:$0x3F9F] =	sst s1;
	(tag) =	ssettag s2;
	_ =	strace s9  }
0x27: {  	s1 =	sld [smem:$0x3FAF]  }
0x28: {  	s2 =	sld [smem:$0x3FB0]  }
0x29: {  	s4 =	sld [smem:$0x3FB2]  }
0x2a: {  	p0 =	seq.s32 s5, $0x0;
	s5 =	sld [smem:$0x3FB3]  }
0x2b: {  	s6 =	sld [smem:$0x3FB4]  }
0x2c: {  	s7 =	sld [smem:$0x3FB5]  }
0x2d: {  	s3 =	simm.s32 $0x108;
	s8 =	sld [smem:$0x3FB6]  }
0x2e: {  	s3 =	simm.s32 @!p0 $0x1082;
	s9 =	sld [smem:$0x3FB7]  }
0x2f: {  	lr =	sadd.s32 s0, s3;
	s0 =	sld [smem:$0x3FAE]  }
0x30: {  	s3 =	sld [smem:$0x3FB1]  }
0x31: {  	[smem:$0x3FBA] =	sst s10  }
0x32: {  	s10 =	sld [smem:$0x3FB8];
	_ =	sdelay $0x3  }
0x33: {  	p0 =	seq.s32 s10, $0x1;
	s10 =	sld [smem:$0x3FBA];
	_ =	sdelay $0x3  }
0x34: {  	[smem:$0x3FBA] =	sst s10  }
0x35: {  	s10 =	sld [smem:$0x3FB9];
	_ =	sdelay $0x3  }
0x36: {  	p1 =	seq.s32 s10, $0x1;
	s10 =	sld [smem:$0x3FBA];
	_ =	sdelay $0x3  }
0x37: {  	[smem:$0x3FBA] =	sst s10  }
0x38: {  	s10 =	sld [smem:$0x3FBB]  }
0x39: {  	_ = 	snop;
	(pc) =	sbr.ind lr, $3  }
0x3a: {  	_ = 	snop  }
0x3b: {  	_ = 	snop  }
0x3c: {  	p2 =	seq.s32 s10, $0x1;
	s10 =	sld [smem:$0x3FBA]  }
0x3d: {  	_ =	shalt  }
0x3e: {  	_ =	shalt  }
0x3f: {  	_ =	shalt  }
0x40: {  	_ =	shalt  }
0x41: {  	_ =	shalt  }
0x42: {  	_ =	shalt  }
0x43: {  	_ =	shalt  }
0x44: {  	_ =	shalt  }
0x45: {  	_ =	shalt  }
0x46: {  	_ =	shalt  }
0x47: {  	_ =	shalt  }
0x48: {  	_ =	shalt  }
0x49: {  	_ =	shalt  }
0x4a: {  	_ =	shalt  }
0x4b: {  	_ =	shalt  }
0x4c: {  	_ =	shalt  }
0x4d: {  	_ =	shalt  }
0x4e: {  	_ =	shalt  }
0x4f: {  	_ =	shalt  }
0x50: {  	_ =	shalt  }
0x51: {  	_ =	shalt  }
0x52: {  	_ =	shalt  }
0x53: {  	_ =	shalt  }
0x54: {  	_ =	shalt  }
0x55: {  	_ =	shalt  }
0x56: {  	_ =	shalt  }
0x57: {  	_ =	shalt  }
0x58: {  	_ =	shalt  }
0x59: {  	_ =	shalt  }
0x5a: {  	_ =	shalt  }
0x5b: {  	_ =	shalt  }
0x5c: {  	_ =	shalt  }
0x5d: {  	_ =	shalt  }
0x5e: {  	_ =	shalt  }
0x5f: {  	_ =	shalt  }
0x60: {  	_ =	shalt  }
0x61: {  	_ =	shalt  }
0x62: {  	_ =	shalt  }
0x63: {  	_ =	shalt  }
0x64: {  	_ =	shalt  }
0x65: {  	_ =	shalt  }
0x66: {  	_ =	shalt  }
0x67: {  	_ =	shalt  }
0x68: {  	_ =	shalt  }
0x69: {  	_ =	shalt  }
0x6a: {  	_ =	shalt  }
0x6b: {  	_ =	shalt  }
0x6c: {  	_ =	shalt  }
0x6d: {  	_ =	shalt  }
0x6e: {  	_ =	shalt  }
0x6f: {  	_ =	shalt  }
0x70: {  	_ =	shalt  }
0x71: {  	_ =	shalt  }
0x72: {  	_ =	shalt  }
0x73: {  	_ =	shalt  }
0x74: {  	_ =	shalt  }
0x75: {  	_ =	shalt  }
0x76: {  	_ =	shalt  }
0x77: {  	_ =	shalt  }
0x78: {  	_ =	shalt  }
0x79: {  	_ =	shalt  }
0x7a: {  	_ =	shalt  }
0x7b: {  	_ =	shalt  }
0x7c: {  	_ =	shalt  }
0x7d: {  	_ =	shalt  }
0x7e: {  	_ =	shalt  }
0x7f: {  	_ =	shalt  }
0x80: {  	_ =	shalt  }
0x81: {  	_ =	shalt  }
0x82: {  	_ =	shalt  }
0x83: {  	_ =	shalt  }
0x84: {  	_ =	shalt  }
0x85: {  	_ =	shalt  }
0x86: {  	_ =	shalt  }
0x87: {  	_ =	shalt  }
.Lfunc_end0:
.L_simem_size_0:
called_computation.1_lowered:
.L_overlay_start_0:
0x88: {  	s2 =	sld [smem:$0x3FD9]  }
0x89: {  	s3 =	sld [smem:$0x3FFE];
	_ =	sdelay $0x1  }
0x8a: {  	s1 =	srdreg.scid  }
0x8b: {  	s0 =	sand.u32 $0x1, s1  }
0x8c: {  	s16 =	sshll.u32 s0, $0xA;
	s2 =	sadd.s32 s3, s2  }
0x8d: {  	s2 =	sadd.s32 s2, s16  }
0x8e: {  	[smem:$0x3FC6] =	sst s2  }
0x8f: {  	_ = 	snop  }
0x90: {  	(tm) =	ssettm $0x1  }
0x91: {  	s17 =	sld [smem:$0x3FFB];
	_ =	sdelay $0x3  }
0x92: {  	_ =	strace s17  }
0x93: {  	s2 =	sld [smem:$0x3FFC];
	_ =	sdelay $0x3  }
0x94: {  	_ =	strace s2  }
0x95: {  	s2 =	sld [smem:$0x3FFD];
	_ =	sdelay $0x3  }
0x96: {  	_ =	strace s2  }
0x97: {  	_ =	strace $0x8FFFFFFF  }
0x98: {  	s18 =	sld [smem:$0x3FDB];
	_ =	sdelay $0x1  }
0x99: {  	s19 =	simm.s32 $_scs_section_size  }
0x9a: {  	s4 =	simm.s32 $_size__tile_overlayer_lowered;
	s5 =	simm.s32 $_tile_overlayer_lowered  }
0x9b: {  	s22 =	simm.s32 $0x1BFF;
	s21 =	sshll.u32 s5, $0x1;
	s2 =	sadd.s32 s19, s18  }
0x9c: {  	s6 =	simm.s32 $0x0;
	s20 =	sshll.u32 s4, $0x1;
	s4 =	sadd.s32 s21, s2  }
0x9d: {  	[timem:s6], [sflag:s22] =	dma.local [hbm:s4], s20  }
0x9e: {  	_ =	swait.ge [sflag:s22], s20  }
0x9f: {  	s3 =	ssub.s32 $0x0, s20;
	[sflag:s22] =	ssyncset.done $0x0  }
0xa0: {  	[sflag:s22] =	ssyncadd.s32 s3;
	_ =	sdelay $0x1  }
0xa1: {  	s23 =	simm.s32 $0x1B8B  }
0xa2: {  	_ =	swait.ge [sflag:s23], $0x1  }
0xa3: {  	[sflag:s23] =	ssyncset.done $0x0  }
0xa4: {  	s25 =	simm.s32 $0x1B8E;
	s24 =	sld [smem:$0x3FFE];
	[sflag:s23] =	ssyncadd.s32 $0xFFFFFFFF  }
0xa5: {  	s26 =	simm.s32 $execute0_lowered;
	[smem:$0x3FD2] =	sst s25  }
0xa6: {  	s4 =	sshll.u32 s26, $0x1;
	_ =	strace $0x80000046;
	[dreg:$0x1] =	wrdreg $0xFFFFFFFF  }
0xa7: {  	s28 =	simm.s32 $_size_execute0_lowered;
	s2 =	sadd.s32 s2, s4;
	[dreg:$0x0] =	wrdreg $0x0  }
0xa8: {  	s4 =	sshll.u32 s28, $0x1;
	[dreg:$0x2] =	wrdreg s2  }
0xa9: {  	[dreg:$0x3] =	wrdreg s4  }
0xaa: {  	[dreg:$0x4] =	wrdreg $0xC0  }
0xab: {  	_ =	task [dreg:s6], $0x5FFFF  }
0xac: {  	[dreg:$0x1] =	wrdreg $0xFFFFFFFF  }
0xad: {  	[dreg:$0x0] =	wrdreg $0x60  }
0xae: {  	[dreg:$0x2] =	wrdreg s24  }
0xaf: {  	[dreg:$0x3] =	wrdreg $0x9  }
0xb0: {  	_ =	task.clear_ibuf [dreg:s6], $0x4FFFF;
	_ =	strace $0x90000046  }
0xb1: {  	s29 =	simm.s32 $0x9;
	_ =	strace $0x80000048  }
0xb2: {  	_ =	swait.ge [sflag:s29], $0x1  }
0xb3: {  	[sflag:s29] =	ssyncadd.s32 $0xFFFFFFFF  }
0xb4: {  	_ =	strace $0x90000048  }
0xb5: {  	_ =	sfence  }
0xb6: {  	s30 =	sld [smem:$0x0];
	_ =	sdelay $0x2  }
0xb7: {  	s31 =	sshll.u32 s1, $0xD;
	s1 =	sshrl.u32 s1, $0x2  }
0xb8: {  	s3 =	sand.u32 $0x4000, s31;
	s1 =	sadd.s32 s1, s30  }
0xb9: {  	s0 =	sor.u32 s3, s0;
	s1 =	sshll.u32 s1, $0x11  }
0xba: {  	s0 =	sor.u32 s1, s0  }
0xbb: {  	s0 =	sadd.s32 $0x8F2B, s0  }
0xbc: {  	[sflag:s0] =	ssyncadd.remote.s32 $0x1  }
0xbd: {  	_ =	sfence.sel $0xFFFF  }
0xbe: {  	[dreg:$0x0] =	wrdreg $0xFFFFFFFF;
	(pc) =	sbr.abs _section_cstart, $3  }
0xbf: {  	[dreg:$0x1] =	wrdreg $0xFFFFFFFF  }
0xc0: {  	_ =	task.clear_ibuf [dreg:s6], $0x2FFFF;
	_ =	strace $0x9FFFFFFF  }
0xc1: {  	(tm) =	ssettm $0x7FFFFFFF  }
tec
execute0_lowered:
.L_overlay_start_1:
0x0: {  	(tag) =	ssettag $0x1  }
0x1: {  	s0 =	srdreg.scid  }
0x2: {  	s1 =	sshll.u32 s0, $0x4  }
0x3: {  	s0 =	stileid.u32;
	s1 =	sand.u32 $0x10, s1  }
0x4: {  	s2 =	sor.u32 s0, s1  }
0x5: {  	s1 =	smin.u32 s2, $0x1C  }
0x6: {  	s1 =	sadd.s32 s2, s1  }
0x7: {  	p0 =	slt.u32 s2, $0x1C;
	s2 =	simm.s32 $0x320;
	s1 =	smul.u32 $0x190, s1  }
0x8: {  	s2 =	simm.s32 @!p0 $0x190  }
0x9: {  	s2 =	sadd.s32 s2, s1  }
0xa: {  	s3 =	smin.u32 s2, $0x5DC0  }
0xb: {  	s7 =	ssub.s32 s3, s1  }
0xc: {  	p0 =	sgt.s32 s7, $0x0  }
0xd: {  	s7 =	simm.s32 @!p0 $0x0  }
0xe: {  	s31 =	sand.u32 $0xFFF0, s7  }
0xf: {  	s2 =	sshrl.u32 s31, $0x4  }
0x10: {  	s2 =	smul.u32 $0xA3E, s2  }
0x11: {  	s4 =	rddreg [dreg:$0x0];
	s6 =	simm.s32 $0x1  }
0x12: {  	s10 =	simm.s32 $0x3;
	s13 =	simm.s32 $0x0;
	s8 =	sshrl.u32 s2, $0x10  }
0x13: {  	s12 =	simm.s32 $0x0;
	s5 =	sadd.s32 $0xC00, s4;
	s9 =	smul.u32 $0x190, s8  }
.Ltmp0:
0x14: {  	s11 =	smov.u32 s1;
	s2 =	rddreg [dreg:$0x1];
	(pc) =	sbr.rel .LBB2_1-.Ltmp0, $4  }
0x15: {  	_ =	strace $0x80000047;
	p0 =	sne.s32 s7, s9;
	s9 =	simm.s32 $0x1  }
0x16: {  	[sflag:s6] =	ssyncpa.u1 $0x0;
	s7 =	simm.s32 $0x2;
	s9 =	simm.s32 @!p0 $0x0  }
0x17: {  	[sflag:s7] =	ssyncpa.u1 $0x0;
	p0 =	por $0x0, $0x0;
	s8 =	sadd.s32 s8, s9  }
0x18: {  	vm0 =	vmmov $0xff;
	vm1 =	vcmask $0x3F20;
	s9 =	sadd.s32 $0xC0A00, s4;
	[sflag:s10] =	ssyncpa.u1 $0x0;
	s10 =	sadd.s32 $0x1, s8  }
.LBB2_6:
0x19: {  	[hbm:s17] =	stream.linear.scatter [tilespmem:s14], [sflag:$0x3], $0x400, $0x38;
	[tilespmem:$0x19320] =	vst v63  }
.LBB2_7:
0x1a: {  	s13 =	sadd.s32 $0x190, s11  }
0x1b: {  	s15 =	smov.u32 s1;
	p2 =	slt.s32 s13, s3  }
0x1c: {  	s15 =	smov.u32 @p2 s13;
	p2 =	sne.s32 s12, s10  }
.Ltmp1:
0x1d: {  	p1 =	slt.u32 s12, $0x2;
	(pc) =	sbr.rel @!p2 .LBB2_8-.Ltmp1, $4  }
0x1e: {  	s14 =	simm.s32 @!p1 $0x3  }
0x1f: {  	s16 =	sadd.s32 $0x1, s12;
	_ =	swait.ge @!p1 [sflag:s14], $0xC800  }
0x20: {  	p0 =	por !p0, !p0;
	s13 =	smov.u32 s11;
	[sflag:s14] =	ssyncset.done @!p1 $0x0  }
0x21: {  	s12 =	smov.u32 s16;
	s11 =	smov.u32 s15;
	[sflag:s14] =	ssyncadd.s32 @!p1 $0xFFFF3800  }
.LBB2_1:
0x22: {  	p1 =	sge.u32 s12, s8  }
0x23: {  	s14 =	sxor.u32 @!p1 $0xFFFFFFFF, s12  }
0x24: {  	s14 =	sand.u32 @!p1 $0x1, s14  }
0x25: {  	s14 =	smul.u32 @!p1 $0x640, s14  }
0x26: {  	s31 =	sadd.s32 $0xFFFFFFFF, s12;
	s15 =	sshrl.u32 @!p1 s11, $0x3  }
0x27: {  	s16 =	sand.u32 @!p1 $0x7, s11;
	s15 =	sadd.s32 @!p1 s4, s15;
	s14 =	sshrl.u32 @!p1 s14, $0x2  }
0x28: {  	[tilespmem:s14], [sflag:$0x2] =	stream.linear.gather @!p1 [hbm4b:s15+s16], $0x190, $0x38;
	[tilespmem:$0x19320] =	vst v63  }
0x29: {  	p1 =	sge.u32 s31, s8  }
.Ltmp2:
0x2a: {  	_ = 	snop;
	(pc) =	sbr.rel @p1 .LBB2_7-.Ltmp2, $1  }
0x2b: {  	_ =	sdelay $0x3  }
0x2c: {  	s14 =	simm.s32 $0x1  }
0x2d: {  	s14 =	simm.s32 @!p0 $0x0  }
0x2e: {  	s15 =	smul.u32 $0x640, s14  }
0x2f: {  	_ =	swait.ge [sflag:s7], $0x190  }
0x30: {  	[sflag:s7] =	ssyncset.done $0x0;
	s16 =	sshrl.u32 s15, $0x2  }
0x31: {  	[sflag:s7] =	ssyncadd.s32 $0xFFFFFE70;
	s15 =	sadd.s32 $0x0, s16  }
0x32: {  	v0 =	vld.msk [tilespmem:s15+$0x0 ss:$0x1], $0xffff;
	_ =	sdelay $0x4  }
0x33: {  	vm2 =	vgt.s32 v0, $0x0  }
0x34: {  	v0 =	vnsel vm2, $0x0, v0  }
0x35: {  	v0 =	vmin.u32 v0, $0xBFCF  }
0x36: {  	v0 =	vshll.u32 v0, $0x4  }
0x37: {  	s14 =	smul.u32 $0x32000, s14;
	_ =	sdelay $0x1  }
0x38: {  	s14 =	sshrl.u32 s14, $0x2  }
0x39: {  	s14 =	sor.u32 $0x320, s14  }
0x3a: {  	[tilespmem:s14], [sflag:$0x1] =	stream.indirect_vreg.gather [hbm:s5], $0x80, v0, vm0, $0x38;
	[tilespmem:$0x19320] =	vst v63  }
0x3b: {  	s17 =	sadd.s32 $0x10, s16;
	s15 =	sadd.s32 $0x400, s14  }
0x3c: {  	[tilespmem:s15], [sflag:$0x1] =	stream.indirect_vreg.gather [hbm:s5], $0x80, v0, vm1, $0x38;
	[tilespmem:$0x19320] =	vst v63  }
0x3d: {  	s18 =	simm.s32 $0x80;
	v0 =	vld.msk [tilespmem:s17+$0x0 ss:$0x1], $0xffff;
	s17 =	smov.u32 s14  }
.LBB2_3:
0x3e: {  	p1 =	sne.s32 s18, $0x600;
	_ =	sdelay $0x4  }
0x3f: {  	vm2 =	vgt.s32 v0, $0x0  }
0x40: {  	v0 =	vnsel vm2, $0x0, v0  }
0x41: {  	v0 =	vmin.u32 v0, $0xBFCF  }
0x42: {  	v0 =	vshll.u32 v0, $0x4;
	_ =	sdelay $0x3  }
.Ltmp3:
0x43: {  	s19 =	sshra.s32 s18, $0x2;
	s17 =	sadd.s32 $0x800, s17;
	(pc) =	sbr.rel @p1 .LBB2_3-.Ltmp3, $4  }
0x44: {  	[tilespmem:s17], [sflag:$0x1] =	stream.indirect_vreg.gather [hbm:s5], $0x80, v0, vm0, $0x38;
	[tilespmem:$0x19320] =	vst v63  }
0x45: {  	s19 =	sadd.s32 s19, s16;
	s20 =	sadd.s32 $0x400, s17  }
0x46: {  	[tilespmem:s20], [sflag:$0x1] =	stream.indirect_vreg.gather [hbm:s5], $0x80, v0, vm1, $0x38;
	[tilespmem:$0x19320] =	vst v63  }
0x47: {  	s18 =	sadd.s32 $0x40, s18;
	v0 =	vld.msk [tilespmem:s19+$0x0 ss:$0x1], $0xffff  }
0x48: {  	_ =	sdelay $0x3  }
0x49: {  	vm2 =	vgt.s32 v0, $0x0  }
0x4a: {  	v0 =	vnsel vm2, $0x0, v0  }
0x4b: {  	v0 =	vmin.u32 v0, $0xBFCF  }
0x4c: {  	v0 =	vshll.u32 v0, $0x4;
	_ =	sdelay $0x3  }
0x4d: {  	s16 =	sadd.s32 $0x800, s17  }
0x4e: {  	[tilespmem:s16], [sflag:$0x1] =	stream.indirect_vreg.gather [hbm:s5], $0x80, v0, vm0, $0x38;
	[tilespmem:$0x19320] =	vst v63  }
0x4f: {  	s16 =	sadd.s32 $0x400, s16  }
0x50: {  	[tilespmem:s16], [sflag:$0x1] =	stream.indirect_vreg.gather [hbm:s5], $0x80, v0, vm1, $0x38;
	[tilespmem:$0x19320] =	vst v63  }
0x51: {  	s13 =	sshll.u32 s13, $0x4;
	_ =	swait.ge [sflag:s6], $0xC800  }
0x52: {  	s13 =	sadd.s32 s13, s9;
	[sflag:s6] =	ssyncset.done $0x0  }
0x53: {  	s17 =	sadd.s32 $0x0, s13;
	s16 =	simm.s32 $0x80;
	[sflag:s6] =	ssyncadd.s32 $0xFFFF3800  }
.LBB2_5:
0x54: {  	[hbm:s17] =	stream.linear.scatter [tilespmem:s14], [sflag:$0x3], $0x400, $0x38;
	[tilespmem:$0x19320] =	vst v63  }
0x55: {  	s17 =	smov.u32 s16;
	s14 =	smov.u32 s15;
	p1 =	sne.s32 s16, $0x1880  }
.Ltmp4:
0x56: {  	s16 =	sadd.s32 $0x80, s16;
	(pc) =	sbr.rel @p1 .LBB2_5-.Ltmp4, $2  }
0x57: {  	_ =	sdelay $0x2  }
0x58: {  	s15 =	sadd.s32 $0x400, s15;
	s17 =	sadd.s32 s17, s13  }
.Ltmp5:
0x59: {  	_ = 	snop;
	(pc) =	sbr.rel .LBB2_6-.Ltmp5, $1  }
0x5a: {  	_ =	sdelay $0x3  }
.LBB2_8:
0x5b: {  	_ =	sfence.sel $0x180000  }
0x5c: {  	s1 =	simm.s32 $0x2;
	[bflag:$0x0] =	sbarrier.arrive $0xFFFF  }
0x5d: {  	s30 =	simm.s32 $0x3;
	[sflag:s1] =	ssyncpa.u1 $0x1  }
0x5e: {  	s31 =	simm.s32 $0x1;
	[sflag:s30] =	ssyncpa.u1 $0x1  }
0x5f: {  	[sflag:s31] =	ssyncpa.u1 $0x1  }
0x60: {  	p0 =	sne.s32 s0, $0x0;
	_ =	strace $0x90000047  }
0x61: {  	s0 =	sadd.s32 @!p0 $0x100000, s2;
	[bflag:$0x2] =	sbarrier.arrive $0xFFFF  }
0x62: {  	[sflag:s0] =	ssyncadd.tile.s32 @!p0 $0x1;
	_ =	shalt  }
.Lfunc_end2:
_tile_overlayer_lowered:
.L_overlay_start_2:
0x63: {  	(tag) =	ssettag $0x2  }
0x64: {  	s0 =	rddreg [dreg:$0x0];
	s2 =	stileid.u32  }
0x65: {  	s1 =	rddreg [dreg:$0x1];
	p0 =	sne.s32 s2, $0x0  }
0x66: {  	s3 =	rddreg [dreg:$0x2];
	[bflag:$0x3] =	sbarrier.arrive $0xFFFF;
	s2 =	simm.s32 @!p0 $0x1C01  }
0x67: {  	[timem:s3], [sflag:s2] =	dma.local @!p0 [hbm:s0], s1  }
0x68: {  	s0 =	simm.s32 @!p0 $0x1  }
0x69: {  	_ =	swait.ge @!p0 [sflag:s0], s1  }
0x6a: {  	s1 =	ssub.s32 @!p0 $0x0, s1;
	[sflag:s0] =	ssyncset.done @!p0 $0x0  }
0x6b: {  	[sflag:s0] =	ssyncadd.s32 @!p0 s1  }
0x6c: {  	[bflag:$0x3] =	sbarrier.arrive $0xFFFF  }
0x6d: {  	_ =	shalt  }

// kernel: gather_offload_async_start.2
scs
__scs_entry_jumppad:
0x0: {  	(pc) =	sbr.rel $0x88, $3  }
0x1: {  	(tag) =	ssettag $0x0;
	lr =	simm.s32 $0x1  }
0x2: {  	[smem:$0x3F9F] =	sst lr;
	_ =	strace $0xD0000000  }
0x3: {  	_ = 	snop  }
0x4: {  	_ = 	snop  }
0x5: {  	_ = 	snop  }
0x6: {  	_ = 	snop  }
0x7: {  	_ = 	snop  }
__scs_overlays_trampoline_lowered:
0x8: {  	[smem:$0x3FAE] =	sst s0  }
0x9: {  	[smem:$0x3FAF] =	sst s1  }
0xa: {  	[smem:$0x3FB0] =	sst s2  }
0xb: {  	[smem:$0x3FB1] =	sst s3  }
0xc: {  	[smem:$0x3FB2] =	sst s4  }
0xd: {  	[smem:$0x3FB3] =	sst s5  }
0xe: {  	[smem:$0x3FB4] =	sst s6  }
0xf: {  	[smem:$0x3FB5] =	sst s7  }
0x10: {  	[smem:$0x3FB6] =	sst s8  }
0x11: {  	[smem:$0x3FB7] =	sst s9;
	s0 =	simm.s32 @!p0 $0x0  }
0x12: {  	s1 =	sld [smem:$0x3F9D];
	s0 =	simm.s32 @p0 $0x1  }
0x13: {  	[smem:$0x3FB8] =	sst s0;
	s0 =	simm.s32 @!p1 $0x0  }
0x14: {  	s2 =	sld [smem:$0x3F9C];
	s0 =	simm.s32 @p1 $0x1  }
0x15: {  	[smem:$0x3FB9] =	sst s0;
	s0 =	simm.s32 @!p2 $0x0  }
0x16: {  	s3 =	sld [smem:$0x3FDB];
	s0 =	simm.s32 @p2 $0x1  }
0x17: {  	s4 =	simm.s32 $0x1BF5;
	[smem:$0x3FBB] =	sst s0  }
0x18: {  	s0 =	sld [smem:$0x3F9E];
	_ =	swait.ge [sflag:s4], $0x0  }
0x19: {  	s7 =	sld [smem:$0x3F9F]  }
0x1a: {  	s8 =	sadd.s32 $0xFFFFE003, lr  }
0x1b: {  	s9 =	sadd.s32 $0xFFFFFEF7, lr;
	s5 =	simm.s32 $0xFFFFFFFF;
	p2 =	slt.u32 s8, $0xFFFFF086  }
0x1c: {  	p1 =	slt.u32 s9, $0xF7A;
	s5 =	simm.s32 @!p2 $0x0  }
0x1d: {  	s5 =	simm.s32 @p1 $0x1;
	p0 =	seq.s32 s7, s2  }
0x1e: {  	s7 =	smul.u32 @!p0 $0xF7A, s2;
	p2 =	seq.s32 @!p0 s5, $0x0  }
0x1f: {  	s9 =	smul.u32 $0xF7A, s1;
	s8 =	simm.s32 @!p0 $0x1BF5;
	p2 =	por !p2, p0  }
0x20: {  	[sflag:s8] =	ssyncset.s32 @!p0 $0xFFFFF086;
	s6 =	sadd.s32 @!p0 s3, s7;
	s7 =	simm.s32 @!p0 $0x108  }
0x21: {  	s3 =	sadd.s32 s3, s9;
	s6 =	sadd.s32 @!p0 $0x88, s6;
	s7 =	simm.s32 @p2 $0x1082  }
0x22: {  	[simem:s7], [sflag:s8] =	dma.local @!p0 [hbm:s6], $0xF7A  }
0x23: {  	s9 =	sor.u32 $0xD0000000, s2;
	s6 =	simm.s32 $0x108;
	_ =	swait.ge @!p0 [sflag:s8], $0x0  }
0x24: {  	s3 =	sadd.s32 $0x88, s3;
	s6 =	simm.s32 @!p1 $0x1082;
	[sflag:s4] =	ssyncset.s32 $0xFFFFF086  }
0x25: {  	[simem:s6], [sflag:s4] =	dma.local [hbm:s3], $0xF7A  }
0x26: {  	[smem:$0x3F9F] =	sst s1;
	(tag) =	ssettag s2;
	_ =	strace s9  }
0x27: {  	s1 =	sld [smem:$0x3FAF]  }
0x28: {  	s2 =	sld [smem:$0x3FB0]  }
0x29: {  	s4 =	sld [smem:$0x3FB2]  }
0x2a: {  	p0 =	seq.s32 s5, $0x0;
	s5 =	sld [smem:$0x3FB3]  }
0x2b: {  	s6 =	sld [smem:$0x3FB4]  }
0x2c: {  	s7 =	sld [smem:$0x3FB5]  }
0x2d: {  	s3 =	simm.s32 $0x108;
	s8 =	sld [smem:$0x3FB6]  }
0x2e: {  	s3 =	simm.s32 @!p0 $0x1082;
	s9 =	sld [smem:$0x3FB7]  }
0x2f: {  	lr =	sadd.s32 s0, s3;
	s0 =	sld [smem:$0x3FAE]  }
0x30: {  	s3 =	sld [smem:$0x3FB1]  }
0x31: {  	[smem:$0x3FBA] =	sst s10  }
0x32: {  	s10 =	sld [smem:$0x3FB8];
	_ =	sdelay $0x3  }
0x33: {  	p0 =	seq.s32 s10, $0x1;
	s10 =	sld [smem:$0x3FBA];
	_ =	sdelay $0x3  }
0x34: {  	[smem:$0x3FBA] =	sst s10  }
0x35: {  	s10 =	sld [smem:$0x3FB9];
	_ =	sdelay $0x3  }
0x36: {  	p1 =	seq.s32 s10, $0x1;
	s10 =	sld [smem:$0x3FBA];
	_ =	sdelay $0x3  }
0x37: {  	[smem:$0x3FBA] =	sst s10  }
0x38: {  	s10 =	sld [smem:$0x3FBB]  }
0x39: {  	_ = 	snop;
	(pc) =	sbr.ind lr, $3  }
0x3a: {  	_ = 	snop  }
0x3b: {  	_ = 	snop  }
0x3c: {  	p2 =	seq.s32 s10, $0x1;
	s10 =	sld [smem:$0x3FBA]  }
0x3d: {  	_ =	shalt  }
0x3e: {  	_ =	shalt  }
0x3f: {  	_ =	shalt  }
0x40: {  	_ =	shalt  }
0x41: {  	_ =	shalt  }
0x42: {  	_ =	shalt  }
0x43: {  	_ =	shalt  }
0x44: {  	_ =	shalt  }
0x45: {  	_ =	shalt  }
0x46: {  	_ =	shalt  }
0x47: {  	_ =	shalt  }
0x48: {  	_ =	shalt  }
0x49: {  	_ =	shalt  }
0x4a: {  	_ =	shalt  }
0x4b: {  	_ =	shalt  }
0x4c: {  	_ =	shalt  }
0x4d: {  	_ =	shalt  }
0x4e: {  	_ =	shalt  }
0x4f: {  	_ =	shalt  }
0x50: {  	_ =	shalt  }
0x51: {  	_ =	shalt  }
0x52: {  	_ =	shalt  }
0x53: {  	_ =	shalt  }
0x54: {  	_ =	shalt  }
0x55: {  	_ =	shalt  }
0x56: {  	_ =	shalt  }
0x57: {  	_ =	shalt  }
0x58: {  	_ =	shalt  }
0x59: {  	_ =	shalt  }
0x5a: {  	_ =	shalt  }
0x5b: {  	_ =	shalt  }
0x5c: {  	_ =	shalt  }
0x5d: {  	_ =	shalt  }
0x5e: {  	_ =	shalt  }
0x5f: {  	_ =	shalt  }
0x60: {  	_ =	shalt  }
0x61: {  	_ =	shalt  }
0x62: {  	_ =	shalt  }
0x63: {  	_ =	shalt  }
0x64: {  	_ =	shalt  }
0x65: {  	_ =	shalt  }
0x66: {  	_ =	shalt  }
0x67: {  	_ =	shalt  }
0x68: {  	_ =	shalt  }
0x69: {  	_ =	shalt  }
0x6a: {  	_ =	shalt  }
0x6b: {  	_ =	shalt  }
0x6c: {  	_ =	shalt  }
0x6d: {  	_ =	shalt  }
0x6e: {  	_ =	shalt  }
0x6f: {  	_ =	shalt  }
0x70: {  	_ =	shalt  }
0x71: {  	_ =	shalt  }
0x72: {  	_ =	shalt  }
0x73: {  	_ =	shalt  }
0x74: {  	_ =	shalt  }
0x75: {  	_ =	shalt  }
0x76: {  	_ =	shalt  }
0x77: {  	_ =	shalt  }
0x78: {  	_ =	shalt  }
0x79: {  	_ =	shalt  }
0x7a: {  	_ =	shalt  }
0x7b: {  	_ =	shalt  }
0x7c: {  	_ =	shalt  }
0x7d: {  	_ =	shalt  }
0x7e: {  	_ =	shalt  }
0x7f: {  	_ =	shalt  }
0x80: {  	_ =	shalt  }
0x81: {  	_ =	shalt  }
0x82: {  	_ =	shalt  }
0x83: {  	_ =	shalt  }
0x84: {  	_ =	shalt  }
0x85: {  	_ =	shalt  }
0x86: {  	_ =	shalt  }
0x87: {  	_ =	shalt  }
.Lfunc_end0:
.L_simem_size_0:
called_computation.2_lowered:
.L_overlay_start_0:
0x88: {  	s2 =	sld [smem:$0x3FD9]  }
0x89: {  	s3 =	sld [smem:$0x3FFE];
	_ =	sdelay $0x1  }
0x8a: {  	s1 =	srdreg.scid  }
0x8b: {  	s0 =	sand.u32 $0x1, s1  }
0x8c: {  	s16 =	sshll.u32 s0, $0xA;
	s2 =	sadd.s32 s3, s2  }
0x8d: {  	s2 =	sadd.s32 s2, s16  }
0x8e: {  	[smem:$0x3FC6] =	sst s2  }
0x8f: {  	_ = 	snop  }
0x90: {  	(tm) =	ssettm $0x1  }
0x91: {  	s17 =	sld [smem:$0x3FFB];
	_ =	sdelay $0x3  }
0x92: {  	_ =	strace s17  }
0x93: {  	s2 =	sld [smem:$0x3FFC];
	_ =	sdelay $0x3  }
0x94: {  	_ =	strace s2  }
0x95: {  	s2 =	sld [smem:$0x3FFD];
	_ =	sdelay $0x3  }
0x96: {  	_ =	strace s2  }
0x97: {  	_ =	strace $0x8FFFFFFF  }
0x98: {  	s18 =	sld [smem:$0x3FDB];
	_ =	sdelay $0x1  }
0x99: {  	s19 =	simm.s32 $_scs_section_size  }
0x9a: {  	s4 =	simm.s32 $_size__tile_overlayer_lowered;
	s5 =	simm.s32 $_tile_overlayer_lowered  }
0x9b: {  	s22 =	simm.s32 $0x1BFF;
	s21 =	sshll.u32 s5, $0x1;
	s2 =	sadd.s32 s19, s18  }
0x9c: {  	s6 =	simm.s32 $0x0;
	s20 =	sshll.u32 s4, $0x1;
	s4 =	sadd.s32 s21, s2  }
0x9d: {  	[timem:s6], [sflag:s22] =	dma.local [hbm:s4], s20  }
0x9e: {  	_ =	swait.ge [sflag:s22], s20  }
0x9f: {  	s3 =	ssub.s32 $0x0, s20;
	[sflag:s22] =	ssyncset.done $0x0  }
0xa0: {  	[sflag:s22] =	ssyncadd.s32 s3;
	_ =	sdelay $0x1  }
0xa1: {  	s23 =	simm.s32 $0x1B8B  }
0xa2: {  	_ =	swait.ge [sflag:s23], $0x1  }
0xa3: {  	[sflag:s23] =	ssyncset.done $0x0  }
0xa4: {  	s25 =	simm.s32 $0x1B8E;
	s24 =	sld [smem:$0x3FFE];
	[sflag:s23] =	ssyncadd.s32 $0xFFFFFFFF  }
0xa5: {  	s26 =	simm.s32 $execute0_lowered;
	[smem:$0x3FD2] =	sst s25  }
0xa6: {  	s4 =	sshll.u32 s26, $0x1;
	_ =	strace $0x80000049;
	[dreg:$0x1] =	wrdreg $0xFFFFFFFF  }
0xa7: {  	s28 =	simm.s32 $_size_execute0_lowered;
	s2 =	sadd.s32 s2, s4;
	[dreg:$0x0] =	wrdreg $0x0  }
0xa8: {  	s4 =	sshll.u32 s28, $0x1;
	[dreg:$0x2] =	wrdreg s2  }
0xa9: {  	[dreg:$0x3] =	wrdreg s4  }
0xaa: {  	[dreg:$0x4] =	wrdreg $0xC0  }
0xab: {  	_ =	task [dreg:s6], $0x5FFFF  }
0xac: {  	[dreg:$0x1] =	wrdreg $0xFFFFFFFF  }
0xad: {  	[dreg:$0x0] =	wrdreg $0x60  }
0xae: {  	[dreg:$0x2] =	wrdreg s24  }
0xaf: {  	[dreg:$0x3] =	wrdreg $0x9  }
0xb0: {  	_ =	task.clear_ibuf [dreg:s6], $0x4FFFF;
	_ =	strace $0x90000049  }
0xb1: {  	s29 =	simm.s32 $0x9;
	_ =	strace $0x8000004B  }
0xb2: {  	_ =	swait.ge [sflag:s29], $0x1  }
0xb3: {  	[sflag:s29] =	ssyncadd.s32 $0xFFFFFFFF  }
0xb4: {  	_ =	strace $0x9000004B  }
0xb5: {  	_ =	sfence  }
0xb6: {  	s30 =	sld [smem:$0x0];
	_ =	sdelay $0x2  }
0xb7: {  	s31 =	sshll.u32 s1, $0xD;
	s1 =	sshrl.u32 s1, $0x2  }
0xb8: {  	s3 =	sand.u32 $0x4000, s31;
	s1 =	sadd.s32 s1, s30  }
0xb9: {  	s0 =	sor.u32 s3, s0;
	s1 =	sshll.u32 s1, $0x11  }
0xba: {  	s0 =	sor.u32 s1, s0  }
0xbb: {  	s0 =	sadd.s32 $0x8F2B, s0  }
0xbc: {  	[sflag:s0] =	ssyncadd.remote.s32 $0x1  }
0xbd: {  	_ =	sfence.sel $0xFFFF  }
0xbe: {  	[dreg:$0x0] =	wrdreg $0xFFFFFFFF;
	(pc) =	sbr.abs _section_cstart, $3  }
0xbf: {  	[dreg:$0x1] =	wrdreg $0xFFFFFFFF  }
0xc0: {  	_ =	task.clear_ibuf [dreg:s6], $0x2FFFF;
	_ =	strace $0x9FFFFFFF  }
0xc1: {  	(tm) =	ssettm $0x7FFFFFFF  }
tec
execute0_lowered:
.L_overlay_start_1:
0x0: {  	(tag) =	ssettag $0x1  }
0x1: {  	s0 =	srdreg.scid  }
0x2: {  	s1 =	sshll.u32 s0, $0x4  }
0x3: {  	s0 =	stileid.u32;
	s1 =	sand.u32 $0x10, s1  }
0x4: {  	s2 =	sor.u32 s0, s1  }
0x5: {  	s1 =	smin.u32 s2, $0x1C  }
0x6: {  	s1 =	sadd.s32 s2, s1  }
0x7: {  	p0 =	slt.u32 s2, $0x1C;
	s2 =	simm.s32 $0x320;
	s1 =	smul.u32 $0x190, s1  }
0x8: {  	s2 =	simm.s32 @!p0 $0x190  }
0x9: {  	s2 =	sadd.s32 s2, s1  }
0xa: {  	s3 =	smin.u32 s2, $0x5DC0  }
0xb: {  	s7 =	ssub.s32 s3, s1  }
0xc: {  	p0 =	sgt.s32 s7, $0x0  }
0xd: {  	s7 =	simm.s32 @!p0 $0x0  }
0xe: {  	s31 =	sand.u32 $0xFFF0, s7  }
0xf: {  	s2 =	sshrl.u32 s31, $0x4  }
0x10: {  	s2 =	smul.u32 $0xA3E, s2  }
0x11: {  	s4 =	rddreg [dreg:$0x0];
	s6 =	simm.s32 $0x1  }
0x12: {  	s10 =	simm.s32 $0x3;
	s13 =	simm.s32 $0x0;
	s8 =	sshrl.u32 s2, $0x10  }
0x13: {  	s12 =	simm.s32 $0x0;
	s5 =	sadd.s32 $0x11F200, s4;
	s9 =	smul.u32 $0x190, s8  }
.Ltmp0:
0x14: {  	s11 =	smov.u32 s1;
	s2 =	rddreg [dreg:$0x1];
	(pc) =	sbr.rel .LBB2_1-.Ltmp0, $4  }
0x15: {  	_ =	strace $0x8000004A;
	p0 =	sne.s32 s7, s9;
	s9 =	simm.s32 $0x1  }
0x16: {  	[sflag:s6] =	ssyncpa.u1 $0x0;
	s7 =	simm.s32 $0x2;
	s9 =	simm.s32 @!p0 $0x0  }
0x17: {  	[sflag:s7] =	ssyncpa.u1 $0x0;
	p0 =	por $0x0, $0x0;
	s8 =	sadd.s32 s8, s9  }
0x18: {  	vm0 =	vmmov $0xff;
	vm1 =	vcmask $0x3F20;
	s9 =	sadd.s32 $0x11E600, s4;
	[sflag:s10] =	ssyncpa.u1 $0x0;
	s10 =	sadd.s32 $0x1, s8  }
.LBB2_6:
0x19: {  	[hbm:s17] =	stream.linear.scatter [tilespmem:s14], [sflag:$0x3], $0x400, $0x38;
	[tilespmem:$0x19320] =	vst v63  }
.LBB2_7:
0x1a: {  	s13 =	sadd.s32 $0x190, s11  }
0x1b: {  	s15 =	smov.u32 s1;
	p2 =	slt.s32 s13, s3  }
0x1c: {  	s15 =	smov.u32 @p2 s13;
	p2 =	sne.s32 s12, s10  }
.Ltmp1:
0x1d: {  	p1 =	slt.u32 s12, $0x2;
	(pc) =	sbr.rel @!p2 .LBB2_8-.Ltmp1, $4  }
0x1e: {  	s14 =	simm.s32 @!p1 $0x3  }
0x1f: {  	s16 =	sadd.s32 $0x1, s12;
	_ =	swait.ge @!p1 [sflag:s14], $0xC800  }
0x20: {  	p0 =	por !p0, !p0;
	s13 =	smov.u32 s11;
	[sflag:s14] =	ssyncset.done @!p1 $0x0  }
0x21: {  	s12 =	smov.u32 s16;
	s11 =	smov.u32 s15;
	[sflag:s14] =	ssyncadd.s32 @!p1 $0xFFFF3800  }
.LBB2_1:
0x22: {  	p1 =	sge.u32 s12, s8  }
0x23: {  	s14 =	sxor.u32 @!p1 $0xFFFFFFFF, s12  }
0x24: {  	s14 =	sand.u32 @!p1 $0x1, s14  }
0x25: {  	s14 =	smul.u32 @!p1 $0x640, s14  }
0x26: {  	s31 =	sadd.s32 $0xFFFFFFFF, s12;
	s15 =	sshrl.u32 @!p1 s11, $0x3  }
0x27: {  	s16 =	sand.u32 @!p1 $0x7, s11;
	s15 =	sadd.s32 @!p1 s9, s15;
	s14 =	sshrl.u32 @!p1 s14, $0x2  }
0x28: {  	[tilespmem:s14], [sflag:$0x2] =	stream.linear.gather @!p1 [hbm4b:s15+s16], $0x190, $0x38;
	[tilespmem:$0x19320] =	vst v63  }
0x29: {  	p1 =	sge.u32 s31, s8  }
.Ltmp2:
0x2a: {  	_ = 	snop;
	(pc) =	sbr.rel @p1 .LBB2_7-.Ltmp2, $1  }
0x2b: {  	_ =	sdelay $0x3  }
0x2c: {  	s14 =	simm.s32 $0x1  }
0x2d: {  	s14 =	simm.s32 @!p0 $0x0  }
0x2e: {  	s15 =	smul.u32 $0x640, s14  }
0x2f: {  	_ =	swait.ge [sflag:s7], $0x190  }
0x30: {  	[sflag:s7] =	ssyncset.done $0x0;
	s16 =	sshrl.u32 s15, $0x2  }
0x31: {  	[sflag:s7] =	ssyncadd.s32 $0xFFFFFE70;
	s15 =	sadd.s32 $0x0, s16  }
0x32: {  	v0 =	vld.msk [tilespmem:s15+$0x0 ss:$0x1], $0xffff;
	_ =	sdelay $0x4  }
0x33: {  	v1 =	vand.u32 $0x3, v0;
	v2 =	vshll.u32 v0, $0x5  }
0x34: {  	vm2 =	veq.s32 v0, $0x80000000;
	v0 =	vmul.u32 $0x5FE800, v1;
	v1 =	vand.u32 $0x7FFF80, v2  }
0x35: {  	v1 =	vsel vm2, $0xFFFFFF80, v1  }
0x36: {  	v0 =	vsel vm2, $0xFFA01800, v0;
	v2 =	vand.u32 $0xFFFFFC00, v1  }
0x37: {  	v1 =	vand.u32 $0x380, v1;
	v0 =	vadd.s32 v0, v2  }
0x38: {  	v0 =	vor.u32 v1, v0  }
0x39: {  	v0 =	vshrl.u32 v0, $0x3  }
0x3a: {  	s14 =	smul.u32 $0x32000, s14;
	_ =	sdelay $0x1  }
0x3b: {  	s14 =	sshrl.u32 s14, $0x2  }
0x3c: {  	s14 =	sor.u32 $0x320, s14  }
0x3d: {  	[tilespmem:s14], [sflag:$0x1] =	stream.indirect_vreg.gather [hbm:s5], $0x80, v0, vm0, $0x38;
	[tilespmem:$0x19320] =	vst v63  }
0x3e: {  	s17 =	sadd.s32 $0x10, s16;
	s15 =	sadd.s32 $0x400, s14  }
0x3f: {  	[tilespmem:s15], [sflag:$0x1] =	stream.indirect_vreg.gather [hbm:s5], $0x80, v0, vm1, $0x38;
	[tilespmem:$0x19320] =	vst v63  }
0x40: {  	s18 =	simm.s32 $0x80;
	v0 =	vld.msk [tilespmem:s17+$0x0 ss:$0x1], $0xffff;
	s17 =	smov.u32 s14  }
.LBB2_3:
0x41: {  	p1 =	sne.s32 s18, $0x600;
	_ =	sdelay $0x4  }
0x42: {  	v1 =	vand.u32 $0x3, v0;
	v2 =	vshll.u32 v0, $0x5  }
0x43: {  	vm2 =	veq.s32 v0, $0x80000000;
	v0 =	vmul.u32 $0x5FE800, v1;
	v1 =	vand.u32 $0x7FFF80, v2  }
0x44: {  	v1 =	vsel vm2, $0xFFFFFF80, v1  }
0x45: {  	v0 =	vsel vm2, $0xFFA01800, v0;
	v2 =	vand.u32 $0xFFFFFC00, v1  }
0x46: {  	v1 =	vand.u32 $0x380, v1;
	v0 =	vadd.s32 v0, v2  }
0x47: {  	v0 =	vor.u32 v1, v0  }
0x48: {  	v0 =	vshrl.u32 v0, $0x3;
	_ =	sdelay $0x3  }
.Ltmp3:
0x49: {  	s19 =	sshra.s32 s18, $0x2;
	s17 =	sadd.s32 $0x800, s17;
	(pc) =	sbr.rel @p1 .LBB2_3-.Ltmp3, $4  }
0x4a: {  	[tilespmem:s17], [sflag:$0x1] =	stream.indirect_vreg.gather [hbm:s5], $0x80, v0, vm0, $0x38;
	[tilespmem:$0x19320] =	vst v63  }
0x4b: {  	s19 =	sadd.s32 s19, s16;
	s20 =	sadd.s32 $0x400, s17  }
0x4c: {  	[tilespmem:s20], [sflag:$0x1] =	stream.indirect_vreg.gather [hbm:s5], $0x80, v0, vm1, $0x38;
	[tilespmem:$0x19320] =	vst v63  }
0x4d: {  	s18 =	sadd.s32 $0x40, s18;
	v0 =	vld.msk [tilespmem:s19+$0x0 ss:$0x1], $0xffff  }
0x4e: {  	_ =	sdelay $0x3  }
0x4f: {  	v1 =	vand.u32 $0x3, v0;
	v2 =	vshll.u32 v0, $0x5  }
0x50: {  	vm2 =	veq.s32 v0, $0x80000000;
	v61 =	vmul.u32 $0x5FE800, v1;
	v62 =	vand.u32 $0x7FFF80, v2  }
0x51: {  	v1 =	vsel vm2, $0xFFFFFF80, v62  }
0x52: {  	v0 =	vsel vm2, $0xFFA01800, v61;
	v63 =	vand.u32 $0xFFFFFC00, v1  }
0x53: {  	v1 =	vand.u32 $0x380, v1;
	v0 =	vadd.s32 v0, v63  }
0x54: {  	v0 =	vor.u32 v1, v0  }
0x55: {  	v0 =	vshrl.u32 v0, $0x3;
	_ =	sdelay $0x3  }
0x56: {  	s16 =	sadd.s32 $0x800, s17  }
0x57: {  	[tilespmem:s16], [sflag:$0x1] =	stream.indirect_vreg.gather [hbm:s5], $0x80, v0, vm0, $0x38;
	[tilespmem:$0x19320] =	vst v63  }
0x58: {  	s16 =	sadd.s32 $0x400, s16  }
0x59: {  	[tilespmem:s16], [sflag:$0x1] =	stream.indirect_vreg.gather [hbm:s5], $0x80, v0, vm1, $0x38;
	[tilespmem:$0x19320] =	vst v63  }
0x5a: {  	s13 =	sshll.u32 s13, $0x4;
	_ =	swait.ge [sflag:s6], $0xC800  }
0x5b: {  	s13 =	sadd.s32 s13, s4;
	[sflag:s6] =	ssyncset.done $0x0  }
0x5c: {  	s17 =	sadd.s32 $0x0, s13;
	s16 =	simm.s32 $0x80;
	[sflag:s6] =	ssyncadd.s32 $0xFFFF3800  }
.LBB2_5:
0x5d: {  	[hbm:s17] =	stream.linear.scatter [tilespmem:s14], [sflag:$0x3], $0x400, $0x38;
	[tilespmem:$0x19320] =	vst v63  }
0x5e: {  	s17 =	smov.u32 s16;
	s14 =	smov.u32 s15;
	p1 =	sne.s32 s16, $0x1880  }
.Ltmp4:
0x5f: {  	s16 =	sadd.s32 $0x80, s16;
	(pc) =	sbr.rel @p1 .LBB2_5-.Ltmp4, $2  }
0x60: {  	_ =	sdelay $0x2  }
0x61: {  	s15 =	sadd.s32 $0x400, s15;
	s17 =	sadd.s32 s17, s13  }
.Ltmp5:
0x62: {  	_ = 	snop;
	(pc) =	sbr.rel .LBB2_6-.Ltmp5, $1  }
0x63: {  	_ =	sdelay $0x3  }
.LBB2_8:
0x64: {  	_ =	sfence.sel $0x180000  }
0x65: {  	s1 =	simm.s32 $0x2;
	[bflag:$0x0] =	sbarrier.arrive $0xFFFF  }
0x66: {  	s30 =	simm.s32 $0x3;
	[sflag:s1] =	ssyncpa.u1 $0x1  }
0x67: {  	s31 =	simm.s32 $0x1;
	[sflag:s30] =	ssyncpa.u1 $0x1  }
0x68: {  	[sflag:s31] =	ssyncpa.u1 $0x1  }
0x69: {  	p0 =	sne.s32 s0, $0x0;
	_ =	strace $0x9000004A  }
0x6a: {  	s0 =	sadd.s32 @!p0 $0x100000, s2;
	[bflag:$0x2] =	sbarrier.arrive $0xFFFF  }
0x6b: {  	[sflag:s0] =	ssyncadd.tile.s32 @!p0 $0x1;
	_ =	shalt  }
.Lfunc_end2:
_tile_overlayer_lowered:
.L_overlay_start_2:
0x6c: {  	(tag) =	ssettag $0x2  }
0x6d: {  	s0 =	rddreg [dreg:$0x0];
	s2 =	stileid.u32  }
0x6e: {  	s1 =	rddreg [dreg:$0x1];
	p0 =	sne.s32 s2, $0x0  }
0x6f: {  	s3 =	rddreg [dreg:$0x2];
	[bflag:$0x3] =	sbarrier.arrive $0xFFFF;
	s2 =	simm.s32 @!p0 $0x1C01  }
0x70: {  	[timem:s3], [sflag:s2] =	dma.local @!p0 [hbm:s0], s1  }
0x71: {  	s0 =	simm.s32 @!p0 $0x1  }
0x72: {  	_ =	swait.ge @!p0 [sflag:s0], s1  }
0x73: {  	s1 =	ssub.s32 @!p0 $0x0, s1;
	[sflag:s0] =	ssyncset.done @!p0 $0x0  }
0x74: {  	[sflag:s0] =	ssyncadd.s32 @!p0 s1  }
0x75: {  	[bflag:$0x3] =	sbarrier.arrive $0xFFFF  }
0x76: {  	_ =	shalt  }

// kernel: gather_offload_async_start
scs
__scs_entry_jumppad:
0x0: {  	(pc) =	sbr.rel $0x88, $3  }
0x1: {  	(tag) =	ssettag $0x0;
	lr =	simm.s32 $0x1  }
0x2: {  	[smem:$0x3F9F] =	sst lr;
	_ =	strace $0xD0000000  }
0x3: {  	_ = 	snop  }
0x4: {  	_ = 	snop  }
0x5: {  	_ = 	snop  }
0x6: {  	_ = 	snop  }
0x7: {  	_ = 	snop  }
__scs_overlays_trampoline_lowered:
0x8: {  	[smem:$0x3FAE] =	sst s0  }
0x9: {  	[smem:$0x3FAF] =	sst s1  }
0xa: {  	[smem:$0x3FB0] =	sst s2  }
0xb: {  	[smem:$0x3FB1] =	sst s3  }
0xc: {  	[smem:$0x3FB2] =	sst s4  }
0xd: {  	[smem:$0x3FB3] =	sst s5  }
0xe: {  	[smem:$0x3FB4] =	sst s6  }
0xf: {  	[smem:$0x3FB5] =	sst s7  }
0x10: {  	[smem:$0x3FB6] =	sst s8  }
0x11: {  	[smem:$0x3FB7] =	sst s9;
	s0 =	simm.s32 @!p0 $0x0  }
0x12: {  	s1 =	sld [smem:$0x3F9D];
	s0 =	simm.s32 @p0 $0x1  }
0x13: {  	[smem:$0x3FB8] =	sst s0;
	s0 =	simm.s32 @!p1 $0x0  }
0x14: {  	s2 =	sld [smem:$0x3F9C];
	s0 =	simm.s32 @p1 $0x1  }
0x15: {  	[smem:$0x3FB9] =	sst s0;
	s0 =	simm.s32 @!p2 $0x0  }
0x16: {  	s3 =	sld [smem:$0x3FDB];
	s0 =	simm.s32 @p2 $0x1  }
0x17: {  	s4 =	simm.s32 $0x1BF5;
	[smem:$0x3FBB] =	sst s0  }
0x18: {  	s0 =	sld [smem:$0x3F9E];
	_ =	swait.ge [sflag:s4], $0x0  }
0x19: {  	s7 =	sld [smem:$0x3F9F]  }
0x1a: {  	s8 =	sadd.s32 $0xFFFFE003, lr  }
0x1b: {  	s9 =	sadd.s32 $0xFFFFFEF7, lr;
	s5 =	simm.s32 $0xFFFFFFFF;
	p2 =	slt.u32 s8, $0xFFFFF086  }
0x1c: {  	p1 =	slt.u32 s9, $0xF7A;
	s5 =	simm.s32 @!p2 $0x0  }
0x1d: {  	s5 =	simm.s32 @p1 $0x1;
	p0 =	seq.s32 s7, s2  }
0x1e: {  	s7 =	smul.u32 @!p0 $0xF7A, s2;
	p2 =	seq.s32 @!p0 s5, $0x0  }
0x1f: {  	s9 =	smul.u32 $0xF7A, s1;
	s8 =	simm.s32 @!p0 $0x1BF5;
	p2 =	por !p2, p0  }
0x20: {  	[sflag:s8] =	ssyncset.s32 @!p0 $0xFFFFF086;
	s6 =	sadd.s32 @!p0 s3, s7;
	s7 =	simm.s32 @!p0 $0x108  }
0x21: {  	s3 =	sadd.s32 s3, s9;
	s6 =	sadd.s32 @!p0 $0x88, s6;
	s7 =	simm.s32 @p2 $0x1082  }
0x22: {  	[simem:s7], [sflag:s8] =	dma.local @!p0 [hbm:s6], $0xF7A  }
0x23: {  	s9 =	sor.u32 $0xD0000000, s2;
	s6 =	simm.s32 $0x108;
	_ =	swait.ge @!p0 [sflag:s8], $0x0  }
0x24: {  	s3 =	sadd.s32 $0x88, s3;
	s6 =	simm.s32 @!p1 $0x1082;
	[sflag:s4] =	ssyncset.s32 $0xFFFFF086  }
0x25: {  	[simem:s6], [sflag:s4] =	dma.local [hbm:s3], $0xF7A  }
0x26: {  	[smem:$0x3F9F] =	sst s1;
	(tag) =	ssettag s2;
	_ =	strace s9  }
0x27: {  	s1 =	sld [smem:$0x3FAF]  }
0x28: {  	s2 =	sld [smem:$0x3FB0]  }
0x29: {  	s4 =	sld [smem:$0x3FB2]  }
0x2a: {  	p0 =	seq.s32 s5, $0x0;
	s5 =	sld [smem:$0x3FB3]  }
0x2b: {  	s6 =	sld [smem:$0x3FB4]  }
0x2c: {  	s7 =	sld [smem:$0x3FB5]  }
0x2d: {  	s3 =	simm.s32 $0x108;
	s8 =	sld [smem:$0x3FB6]  }
0x2e: {  	s3 =	simm.s32 @!p0 $0x1082;
	s9 =	sld [smem:$0x3FB7]  }
0x2f: {  	lr =	sadd.s32 s0, s3;
	s0 =	sld [smem:$0x3FAE]  }
0x30: {  	s3 =	sld [smem:$0x3FB1]  }
0x31: {  	[smem:$0x3FBA] =	sst s10  }
0x32: {  	s10 =	sld [smem:$0x3FB8];
	_ =	sdelay $0x3  }
0x33: {  	p0 =	seq.s32 s10, $0x1;
	s10 =	sld [smem:$0x3FBA];
	_ =	sdelay $0x3  }
0x34: {  	[smem:$0x3FBA] =	sst s10  }
0x35: {  	s10 =	sld [smem:$0x3FB9];
	_ =	sdelay $0x3  }
0x36: {  	p1 =	seq.s32 s10, $0x1;
	s10 =	sld [smem:$0x3FBA];
	_ =	sdelay $0x3  }
0x37: {  	[smem:$0x3FBA] =	sst s10  }
0x38: {  	s10 =	sld [smem:$0x3FBB]  }
0x39: {  	_ = 	snop;
	(pc) =	sbr.ind lr, $3  }
0x3a: {  	_ = 	snop  }
0x3b: {  	_ = 	snop  }
0x3c: {  	p2 =	seq.s32 s10, $0x1;
	s10 =	sld [smem:$0x3FBA]  }
0x3d: {  	_ =	shalt  }
0x3e: {  	_ =	shalt  }
0x3f: {  	_ =	shalt  }
0x40: {  	_ =	shalt  }
0x41: {  	_ =	shalt  }
0x42: {  	_ =	shalt  }
0x43: {  	_ =	shalt  }
0x44: {  	_ =	shalt  }
0x45: {  	_ =	shalt  }
0x46: {  	_ =	shalt  }
0x47: {  	_ =	shalt  }
0x48: {  	_ =	shalt  }
0x49: {  	_ =	shalt  }
0x4a: {  	_ =	shalt  }
0x4b: {  	_ =	shalt  }
0x4c: {  	_ =	shalt  }
0x4d: {  	_ =	shalt  }
0x4e: {  	_ =	shalt  }
0x4f: {  	_ =	shalt  }
0x50: {  	_ =	shalt  }
0x51: {  	_ =	shalt  }
0x52: {  	_ =	shalt  }
0x53: {  	_ =	shalt  }
0x54: {  	_ =	shalt  }
0x55: {  	_ =	shalt  }
0x56: {  	_ =	shalt  }
0x57: {  	_ =	shalt  }
0x58: {  	_ =	shalt  }
0x59: {  	_ =	shalt  }
0x5a: {  	_ =	shalt  }
0x5b: {  	_ =	shalt  }
0x5c: {  	_ =	shalt  }
0x5d: {  	_ =	shalt  }
0x5e: {  	_ =	shalt  }
0x5f: {  	_ =	shalt  }
0x60: {  	_ =	shalt  }
0x61: {  	_ =	shalt  }
0x62: {  	_ =	shalt  }
0x63: {  	_ =	shalt  }
0x64: {  	_ =	shalt  }
0x65: {  	_ =	shalt  }
0x66: {  	_ =	shalt  }
0x67: {  	_ =	shalt  }
0x68: {  	_ =	shalt  }
0x69: {  	_ =	shalt  }
0x6a: {  	_ =	shalt  }
0x6b: {  	_ =	shalt  }
0x6c: {  	_ =	shalt  }
0x6d: {  	_ =	shalt  }
0x6e: {  	_ =	shalt  }
0x6f: {  	_ =	shalt  }
0x70: {  	_ =	shalt  }
0x71: {  	_ =	shalt  }
0x72: {  	_ =	shalt  }
0x73: {  	_ =	shalt  }
0x74: {  	_ =	shalt  }
0x75: {  	_ =	shalt  }
0x76: {  	_ =	shalt  }
0x77: {  	_ =	shalt  }
0x78: {  	_ =	shalt  }
0x79: {  	_ =	shalt  }
0x7a: {  	_ =	shalt  }
0x7b: {  	_ =	shalt  }
0x7c: {  	_ =	shalt  }
0x7d: {  	_ =	shalt  }
0x7e: {  	_ =	shalt  }
0x7f: {  	_ =	shalt  }
0x80: {  	_ =	shalt  }
0x81: {  	_ =	shalt  }
0x82: {  	_ =	shalt  }
0x83: {  	_ =	shalt  }
0x84: {  	_ =	shalt  }
0x85: {  	_ =	shalt  }
0x86: {  	_ =	shalt  }
0x87: {  	_ =	shalt  }
.Lfunc_end0:
.L_simem_size_0:
called_computation_lowered:
.L_overlay_start_0:
0x88: {  	s2 =	sld [smem:$0x3FD9]  }
0x89: {  	s3 =	sld [smem:$0x3FFE];
	_ =	sdelay $0x1  }
0x8a: {  	s1 =	srdreg.scid  }
0x8b: {  	s0 =	sand.u32 $0x1, s1  }
0x8c: {  	s16 =	sshll.u32 s0, $0xA;
	s2 =	sadd.s32 s3, s2  }
0x8d: {  	s2 =	sadd.s32 s2, s16  }
0x8e: {  	[smem:$0x3FC6] =	sst s2  }
0x8f: {  	_ = 	snop  }
0x90: {  	(tm) =	ssettm $0x1  }
0x91: {  	s17 =	sld [smem:$0x3FFB];
	_ =	sdelay $0x3  }
0x92: {  	_ =	strace s17  }
0x93: {  	s2 =	sld [smem:$0x3FFC];
	_ =	sdelay $0x3  }
0x94: {  	_ =	strace s2  }
0x95: {  	s2 =	sld [smem:$0x3FFD];
	_ =	sdelay $0x3  }
0x96: {  	_ =	strace s2  }
0x97: {  	_ =	strace $0x8FFFFFFF  }
0x98: {  	s18 =	sld [smem:$0x3FDB];
	_ =	sdelay $0x1  }
0x99: {  	s19 =	simm.s32 $_scs_section_size  }
0x9a: {  	s4 =	simm.s32 $_size__tile_overlayer_lowered;
	s5 =	simm.s32 $_tile_overlayer_lowered  }
0x9b: {  	s22 =	simm.s32 $0x1BFF;
	s21 =	sshll.u32 s5, $0x1;
	s2 =	sadd.s32 s19, s18  }
0x9c: {  	s6 =	simm.s32 $0x0;
	s20 =	sshll.u32 s4, $0x1;
	s4 =	sadd.s32 s21, s2  }
0x9d: {  	[timem:s6], [sflag:s22] =	dma.local [hbm:s4], s20  }
0x9e: {  	_ =	swait.ge [sflag:s22], s20  }
0x9f: {  	s3 =	ssub.s32 $0x0, s20;
	[sflag:s22] =	ssyncset.done $0x0  }
0xa0: {  	[sflag:s22] =	ssyncadd.s32 s3;
	_ =	sdelay $0x1  }
0xa1: {  	s23 =	simm.s32 $0x1B8B  }
0xa2: {  	_ =	swait.ge [sflag:s23], $0x1  }
0xa3: {  	[sflag:s23] =	ssyncset.done $0x0  }
0xa4: {  	s25 =	simm.s32 $0x1B8E;
	s24 =	sld [smem:$0x3FFE];
	[sflag:s23] =	ssyncadd.s32 $0xFFFFFFFF  }
0xa5: {  	s26 =	simm.s32 $execute0_lowered;
	[smem:$0x3FD2] =	sst s25  }
0xa6: {  	s4 =	sshll.u32 s26, $0x1;
	_ =	strace $0x8000004F;
	[dreg:$0x1] =	wrdreg $0xFFFFFFFF  }
0xa7: {  	s28 =	simm.s32 $_size_execute0_lowered;
	s2 =	sadd.s32 s2, s4;
	[dreg:$0x0] =	wrdreg $0x0  }
0xa8: {  	s4 =	sshll.u32 s28, $0x1;
	[dreg:$0x2] =	wrdreg s2  }
0xa9: {  	[dreg:$0x3] =	wrdreg s4  }
0xaa: {  	[dreg:$0x4] =	wrdreg $0xC0  }
0xab: {  	_ =	task [dreg:s6], $0x5FFFF  }
0xac: {  	[dreg:$0x1] =	wrdreg $0xFFFFFFFF  }
0xad: {  	[dreg:$0x0] =	wrdreg $0x60  }
0xae: {  	[dreg:$0x2] =	wrdreg s24  }
0xaf: {  	[dreg:$0x3] =	wrdreg $0x9  }
0xb0: {  	_ =	task.clear_ibuf [dreg:s6], $0x4FFFF;
	_ =	strace $0x9000004F  }
0xb1: {  	s29 =	simm.s32 $0x9;
	_ =	strace $0x80000051  }
0xb2: {  	_ =	swait.ge [sflag:s29], $0x1  }
0xb3: {  	[sflag:s29] =	ssyncadd.s32 $0xFFFFFFFF  }
0xb4: {  	_ =	strace $0x90000051  }
0xb5: {  	_ =	sfence  }
0xb6: {  	s30 =	sld [smem:$0x0];
	_ =	sdelay $0x2  }
0xb7: {  	s31 =	sshll.u32 s1, $0xD;
	s1 =	sshrl.u32 s1, $0x2  }
0xb8: {  	s3 =	sand.u32 $0x4000, s31;
	s1 =	sadd.s32 s1, s30  }
0xb9: {  	s0 =	sor.u32 s3, s0;
	s1 =	sshll.u32 s1, $0x11  }
0xba: {  	s0 =	sor.u32 s1, s0  }
0xbb: {  	s0 =	sadd.s32 $0x8F2B, s0  }
0xbc: {  	[sflag:s0] =	ssyncadd.remote.s32 $0x1  }
0xbd: {  	_ =	sfence.sel $0xFFFF  }
0xbe: {  	[dreg:$0x0] =	wrdreg $0xFFFFFFFF;
	(pc) =	sbr.abs _section_cstart, $3  }
0xbf: {  	[dreg:$0x1] =	wrdreg $0xFFFFFFFF  }
0xc0: {  	_ =	task.clear_ibuf [dreg:s6], $0x2FFFF;
	_ =	strace $0x9FFFFFFF  }
0xc1: {  	(tm) =	ssettm $0x7FFFFFFF  }
tec
execute0_lowered:
.L_overlay_start_1:
0x0: {  	(tag) =	ssettag $0x1  }
0x1: {  	s8 =	rddreg [dreg:$0x0]  }
0x2: {  	s0 =	rddreg [dreg:$0x1];
	_ =	strace $0x80000050;
	s1 =	stileid.u32  }
0x3: {  	s3 =	srdreg.scid;
	s4 =	simm.s32 $0x1;
	s7 =	simm.s32 $0x1  }
0x4: {  	s9 =	simm.s32 $0x1;
	s10 =	simm.s32 $0x3;
	s13 =	simm.s32 $0x0  }
0x5: {  	s12 =	simm.s32 $0x0;
	s5 =	sand.u32 $0x1, s3;
	s6 =	sshll.u32 s1, $0x1  }
0x6: {  	s2 =	sadd.s32 $0xE00, s8;
	s3 =	sadd.s32 $0x200, s8;
	s5 =	sor.u32 s6, s5  }
.Ltmp0:
0x7: {  	[sflag:s4] =	ssyncpa.u1 $0x0;
	p0 =	slt.u32 s5, $0x13;
	(pc) =	sbr.rel .LBB2_1-.Ltmp0, $4  }
0x8: {  	s6 =	simm.s32 $0x2;
	s7 =	simm.s32 @!p0 $0x0;
	p0 =	sne.s32 s5, $0x12  }
0x9: {  	[sflag:s6] =	ssyncpa.u1 $0x0;
	s5 =	smul.u32 $0x1E0, s5;
	s9 =	simm.s32 @!p0 $0x0  }
0xa: {  	s8 =	sadd.s32 $0x1E00, s8;
	[sflag:s10] =	ssyncpa.u1 $0x0;
	s7 =	sadd.s32 s9, s7  }
0xb: {  	vm0 =	vmmov $0xffff;
	s10 =	simm.s32 $0x0;
	s11 =	smov.u32 s5;
	s9 =	sadd.s32 $0x1, s7  }
.LBB2_4:
0xc: {  	v5 =	vld.msk [tilespmem:s18+$0x0 ss:$0x1], $0xffff  }
0xd: {  	v6 =	vand.u32 $0x3, v1;
	v7 =	vshrl.u32 v1, $0x2  }
0xe: {  	v3 =	vor.u32 v4, v3;
	vm1 =	veq.s32 v1, $0x80000000;
	v53 =	vand.u32 $0x1FFF, v7  }
0xf: {  	v2 =	vor.u32 v2, v3;
	v54 =	vsel vm1, $0xFFFFFFFF, v6;
	v1 =	vsel vm1, $0xFFFFFFFF, v53  }
0x10: {  	v6 =	vshll.u32 v54, $0x7;
	v3 =	vand.u32 $0xFFFF8000, v54;
	v55 =	vand.u32 $0x7F, v1  }
0x11: {  	v1 =	vshll.u32 v1, $0x2;
	v6 =	vand.u32 $0x180, v6;
	v56 =	vshrl.u32 v5, $0x2  }
0x12: {  	v1 =	vand.u32 $0xFFFFFE00, v1;
	vm1 =	veq.s32 v5, $0x80000000;
	v57 =	vand.u32 $0x1FFF, v56  }
0x13: {  	v1 =	vadd.s32 v3, v1;
	v5 =	vand.u32 $0x3, v5;
	v3 =	vsel vm1, $0xFFFFFFFF, v57  }
0x14: {  	v1 =	vor.u32 v6, v1;
	v5 =	vsel vm1, $0xFFFFFFFF, v5;
	v58 =	vshll.u32 v3, $0x2  }
0x15: {  	v59 =	vshll.u32 v5, $0x7;
	v5 =	vand.u32 $0xFFFF8000, v5;
	v6 =	vand.u32 $0xFFFFFE00, v58  }
0x16: {  	v1 =	vor.u32 v55, v1;
	v61 =	vand.u32 $0x180, v59;
	v60 =	vadd.s32 v5, v6  }
0x17: {  	[tilespmem:s16], [sflag:$0x1] =	stream.indirect_vreg.gather [hbm4b:s2+s10], $0x1, v0, vm0, $0x4038;
	v62 =	vand.u32 $0x7F, v3;
	v63 =	vor.u32 v61, v60;
	[tilespmem:$0x780] =	vst v63  }
0x18: {  	(ifvalue) =	ssetifvalue $0x7FFFFFFF;
	v0 =	vor.u32 v62, v63  }
0x19: {  	[tilespmem:s15], [sflag:$0x1] =	stream.indirect_vreg.gather [hbm4b:s2+s10], $0x1, v2, vm0, $0x4038;
	[tilespmem:$0x780] =	vst v63  }
0x1a: {  	s29 =	sadd.s32 $0x10, s15;
	(ifvalue) =	ssetifvalue $0x7FFFFFFF  }
0x1b: {  	[tilespmem:s29], [sflag:$0x1] =	stream.indirect_vreg.gather [hbm4b:s2+s10], $0x1, v1, vm0, $0x4038;
	[tilespmem:$0x780] =	vst v63  }
0x1c: {  	s15 =	sadd.s32 $0x10, s29;
	(ifvalue) =	ssetifvalue $0x7FFFFFFF  }
0x1d: {  	[tilespmem:s15], [sflag:$0x1] =	stream.indirect_vreg.gather [hbm4b:s2+s10], $0x1, v0, vm0, $0x4038;
	[tilespmem:$0x780] =	vst v63  }
0x1e: {  	_ =	swait.ge [sflag:s4], $0x1E0  }
0x1f: {  	s30 =	sshrl.u32 s13, $0x3;
	[sflag:s4] =	ssyncset.done $0x0  }
0x20: {  	s31 =	sand.u32 $0x7, s13;
	s15 =	sadd.s32 s8, s30;
	[sflag:s4] =	ssyncadd.s32 $0xFFFFFE20  }
0x21: {  	[hbm4b:s15+s31] =	stream.linear.scatter [tilespmem:s14], [sflag:$0x3], $0x1E0, $0x38;
	[tilespmem:$0x780] =	vst v63  }
.LBB2_5:
0x22: {  	s15 =	sadd.s32 $0x3C00, s11  }
0x23: {  	p1 =	sgt.s32 s15, $0x5DBF  }
0x24: {  	s15 =	smov.u32 @p1 s5;
	p1 =	sne.s32 s12, s9  }
.Ltmp1:
0x25: {  	p0 =	slt.u32 s12, $0x2;
	(pc) =	sbr.rel @!p1 .LBB2_6-.Ltmp1, $4  }
0x26: {  	s14 =	simm.s32 @!p0 $0x3  }
0x27: {  	_ =	swait.ge @!p0 [sflag:s14], $0x1E0  }
0x28: {  	s16 =	sadd.s32 $0x1, s12;
	s13 =	smov.u32 s11;
	[sflag:s14] =	ssyncset.done @!p0 $0x0  }
0x29: {  	s12 =	smov.u32 s16;
	s11 =	smov.u32 s15;
	[sflag:s14] =	ssyncadd.s32 @!p0 $0xFFFFFE20  }
.LBB2_1:
0x2a: {  	p0 =	sge.u32 s12, s7  }
0x2b: {  	s14 =	sxor.u32 @!p0 $0x1, s12  }
0x2c: {  	s14 =	smul.u32 @!p0 $0x780, s14  }
0x2d: {  	s31 =	sadd.s32 $0xFFFFFFFF, s12;
	s15 =	sshrl.u32 @!p0 s11, $0x3  }
0x2e: {  	s16 =	sand.u32 @!p0 $0x7, s11;
	s15 =	sadd.s32 @!p0 s3, s15;
	s14 =	sshra.s32 @!p0 s14, $0x2  }
0x2f: {  	[tilespmem:s14], [sflag:$0x2] =	stream.linear.gather @!p0 [hbm4b:s15+s16], $0x1E0, $0x38;
	[tilespmem:$0x780] =	vst v63  }
0x30: {  	p0 =	sge.u32 s31, s7  }
.Ltmp2:
0x31: {  	_ = 	snop;
	(pc) =	sbr.rel @p0 .LBB2_5-.Ltmp2, $1  }
0x32: {  	_ =	sdelay $0x3  }
0x33: {  	s14 =	sand.u32 $0x1, s12  }
0x34: {  	_ =	swait.ge [sflag:s6], $0x1E0;
	p0 =	seq.s32 s14, $0x1;
	s14 =	simm.s32 $0x1E0  }
0x35: {  	[sflag:s6] =	ssyncset.done $0x0;
	s14 =	simm.s32 @!p0 $0x0  }
0x36: {  	[sflag:s6] =	ssyncadd.s32 $0xFFFFFE20;
	(ifvalue) =	ssetifvalue $0x7FFFFFFF;
	v0 =	vld.msk [tilespmem:s14+$0x0 ss:$0x1], $0xffff;
	_ =	sdelay $0x4  }
0x37: {  	s15 =	sadd.s32 $0x10, s14;
	v2 =	vshrl.u32 v0, $0x2  }
0x38: {  	v1 =	vld.msk [tilespmem:s15+$0x0 ss:$0x1], $0xffff;
	vm1 =	veq.s32 v0, $0x80000000;
	v2 =	vand.u32 $0x1FFF, v2  }
0x39: {  	v0 =	vand.u32 $0x3, v0;
	v2 =	vsel vm1, $0xFFFFFFFF, v2  }
0x3a: {  	v0 =	vsel vm1, $0xFFFFFFFF, v0;
	v3 =	vshll.u32 v2, $0x2  }
0x3b: {  	v4 =	vand.u32 $0xFFFF8000, v0;
	v0 =	vshll.u32 v0, $0x7;
	v3 =	vand.u32 $0xFFFFFE00, v3  }
0x3c: {  	v0 =	vand.u32 $0x180, v0;
	v3 =	vadd.s32 v4, v3  }
0x3d: {  	v2 =	vand.u32 $0x7F, v2;
	v4 =	vshrl.u32 v1, $0x2;
	v0 =	vor.u32 v0, v3  }
0x3e: {  	vm1 =	veq.s32 v1, $0x80000000;
	v4 =	vand.u32 $0x1FFF, v4;
	v0 =	vor.u32 v2, v0  }
0x3f: {  	s15 =	sadd.s32 $0x10, s15;
	v1 =	vand.u32 $0x3, v1;
	v3 =	vsel vm1, $0xFFFFFFFF, v4  }
0x40: {  	s14 =	sadd.s32 $0x3C0, s14;
	v2 =	vsel vm1, $0xFFFFFFFF, v1;
	v1 =	vld.msk [tilespmem:s15+$0x0 ss:$0x1], $0xffff;
	v4 =	vshll.u32 v3, $0x2  }
0x41: {  	s17 =	simm.s32 $0x30;
	s16 =	smov.u32 s14;
	v5 =	vshll.u32 v2, $0x7;
	v6 =	vand.u32 $0xFFFF8000, v2;
	v4 =	vand.u32 $0xFFFFFE00, v4  }
0x42: {  	s18 =	sadd.s32 $0x10, s15;
	(ifvalue) =	ssetifvalue $0x7FFFFFFF;
	s15 =	sadd.s32 $0x10, s14;
	v2 =	vand.u32 $0x7F, v3;
	v3 =	vadd.s32 v6, v4;
	v4 =	vand.u32 $0x180, v5  }
.LBB2_3:
0x43: {  	[tilespmem:s16], [sflag:$0x1] =	stream.indirect_vreg.gather [hbm4b:s2+s10], $0x1, v0, vm0, $0x4038;
	[tilespmem:$0x780] =	vst v63  }
0x44: {  	s17 =	sadd.s32 $0x10, s17  }
0x45: {  	v5 =	vand.u32 $0x3, v1;
	v6 =	vshrl.u32 v1, $0x2;
	v3 =	vor.u32 v4, v3;
	v0 =	vmovc v1;
	v1 =	vld.msk [tilespmem:s18+$0x0 ss:$0x1], $0xffff;
	p0 =	slt.u32 s17, $0x1D0  }
.Ltmp3:
0x46: {  	s16 =	smov.u32 s15;
	vm1 =	veq.s32 v0, $0x80000000;
	v4 =	vand.u32 $0x1FFF, v6;
	v0 =	vor.u32 v2, v3;
	(pc) =	sbr.rel @p0 .LBB2_3-.Ltmp3, $4  }
0x47: {  	v3 =	vsel vm1, $0xFFFFFFFF, v5;
	v4 =	vsel vm1, $0xFFFFFFFF, v4  }
0x48: {  	v2 =	vand.u32 $0x7F, v4;
	v4 =	vshll.u32 v4, $0x2;
	v5 =	vshll.u32 v3, $0x7  }
0x49: {  	v3 =	vand.u32 $0xFFFF8000, v3;
	v4 =	vand.u32 $0xFFFFFE00, v4  }
0x4a: {  	s18 =	sadd.s32 $0x10, s18;
	s15 =	sadd.s32 $0x10, s15;
	v3 =	vadd.s32 v3, v4;
	v4 =	vand.u32 $0x180, v5;
	(ifvalue) =	ssetifvalue $0x7FFFFFFF  }
.Ltmp4:
0x4b: {  	_ = 	snop;
	(pc) =	sbr.rel .LBB2_4-.Ltmp4, $1  }
0x4c: {  	_ =	sdelay $0x3  }
.LBB2_6:
0x4d: {  	_ =	sfence.sel $0x180000  }
0x4e: {  	s2 =	simm.s32 $0x2;
	[bflag:$0x0] =	sbarrier.arrive $0xFFFF  }
0x4f: {  	s30 =	simm.s32 $0x3;
	[sflag:s2] =	ssyncpa.u1 $0x1  }
0x50: {  	s31 =	simm.s32 $0x1;
	[sflag:s30] =	ssyncpa.u1 $0x1  }
0x51: {  	[sflag:s31] =	ssyncpa.u1 $0x1  }
0x52: {  	p0 =	sne.s32 s1, $0x0;
	_ =	strace $0x90000050  }
0x53: {  	s0 =	sadd.s32 @!p0 $0x100000, s0;
	[bflag:$0x2] =	sbarrier.arrive $0xFFFF  }
0x54: {  	[sflag:s0] =	ssyncadd.tile.s32 @!p0 $0x1;
	_ =	shalt  }
.Lfunc_end2:
_tile_overlayer_lowered:
.L_overlay_start_2:
0x55: {  	(tag) =	ssettag $0x2  }
0x56: {  	s0 =	rddreg [dreg:$0x0];
	s2 =	stileid.u32  }
0x57: {  	s1 =	rddreg [dreg:$0x1];
	p0 =	sne.s32 s2, $0x0  }
0x58: {  	s3 =	rddreg [dreg:$0x2];
	[bflag:$0x3] =	sbarrier.arrive $0xFFFF;
	s2 =	simm.s32 @!p0 $0x1C01  }
0x59: {  	[timem:s3], [sflag:s2] =	dma.local @!p0 [hbm:s0], s1  }
0x5a: {  	s0 =	simm.s32 @!p0 $0x1  }
0x5b: {  	_ =	swait.ge @!p0 [sflag:s0], s1  }
0x5c: {  	s1 =	ssub.s32 @!p0 $0x0, s1;
	[sflag:s0] =	ssyncset.done @!p0 $0x0  }
0x5d: {  	[sflag:s0] =	ssyncadd.s32 @!p0 s1  }
0x5e: {  	[bflag:$0x3] =	sbarrier.arrive $0xFFFF  }
0x5f: {  	_ =	shalt  }

// kernel: kernel.3.cloned.1.call-start
scs
__scs_entry_jumppad:
0x0: {  	(pc) =	sbr.rel $0x88, $3  }
0x1: {  	(tag) =	ssettag $0x0;
	lr =	simm.s32 $0x1  }
0x2: {  	[smem:$0x3F9F] =	sst lr;
	_ =	strace $0xD0000000  }
0x3: {  	_ = 	snop  }
0x4: {  	_ = 	snop  }
0x5: {  	_ = 	snop  }
0x6: {  	_ = 	snop  }
0x7: {  	_ = 	snop  }
__scs_overlays_trampoline_lowered:
0x8: {  	[smem:$0x3FAE] =	sst s0  }
0x9: {  	[smem:$0x3FAF] =	sst s1  }
0xa: {  	[smem:$0x3FB0] =	sst s2  }
0xb: {  	[smem:$0x3FB1] =	sst s3  }
0xc: {  	[smem:$0x3FB2] =	sst s4  }
0xd: {  	[smem:$0x3FB3] =	sst s5  }
0xe: {  	[smem:$0x3FB4] =	sst s6  }
0xf: {  	[smem:$0x3FB5] =	sst s7  }
0x10: {  	[smem:$0x3FB6] =	sst s8  }
0x11: {  	[smem:$0x3FB7] =	sst s9;
	s0 =	simm.s32 @!p0 $0x0  }
0x12: {  	s1 =	sld [smem:$0x3F9D];
	s0 =	simm.s32 @p0 $0x1  }
0x13: {  	[smem:$0x3FB8] =	sst s0;
	s0 =	simm.s32 @!p1 $0x0  }
0x14: {  	s2 =	sld [smem:$0x3F9C];
	s0 =	simm.s32 @p1 $0x1  }
0x15: {  	[smem:$0x3FB9] =	sst s0;
	s0 =	simm.s32 @!p2 $0x0  }
0x16: {  	s3 =	sld [smem:$0x3FDB];
	s0 =	simm.s32 @p2 $0x1  }
0x17: {  	s4 =	simm.s32 $0x1BF5;
	[smem:$0x3FBB] =	sst s0  }
0x18: {  	s0 =	sld [smem:$0x3F9E];
	_ =	swait.ge [sflag:s4], $0x0  }
0x19: {  	s7 =	sld [smem:$0x3F9F]  }
0x1a: {  	s8 =	sadd.s32 $0xFFFFE003, lr  }
0x1b: {  	s9 =	sadd.s32 $0xFFFFFEF7, lr;
	s5 =	simm.s32 $0xFFFFFFFF;
	p2 =	slt.u32 s8, $0xFFFFF086  }
0x1c: {  	p1 =	slt.u32 s9, $0xF7A;
	s5 =	simm.s32 @!p2 $0x0  }
0x1d: {  	s5 =	simm.s32 @p1 $0x1;
	p0 =	seq.s32 s7, s2  }
0x1e: {  	s7 =	smul.u32 @!p0 $0xF7A, s2;
	p2 =	seq.s32 @!p0 s5, $0x0  }
0x1f: {  	s9 =	smul.u32 $0xF7A, s1;
	s8 =	simm.s32 @!p0 $0x1BF5;
	p2 =	por !p2, p0  }
0x20: {  	[sflag:s8] =	ssyncset.s32 @!p0 $0xFFFFF086;
	s6 =	sadd.s32 @!p0 s3, s7;
	s7 =	simm.s32 @!p0 $0x108  }
0x21: {  	s3 =	sadd.s32 s3, s9;
	s6 =	sadd.s32 @!p0 $0x88, s6;
	s7 =	simm.s32 @p2 $0x1082  }
0x22: {  	[simem:s7], [sflag:s8] =	dma.local @!p0 [hbm:s6], $0xF7A  }
0x23: {  	s9 =	sor.u32 $0xD0000000, s2;
	s6 =	simm.s32 $0x108;
	_ =	swait.ge @!p0 [sflag:s8], $0x0  }
0x24: {  	s3 =	sadd.s32 $0x88, s3;
	s6 =	simm.s32 @!p1 $0x1082;
	[sflag:s4] =	ssyncset.s32 $0xFFFFF086  }
0x25: {  	[simem:s6], [sflag:s4] =	dma.local [hbm:s3], $0xF7A  }
0x26: {  	[smem:$0x3F9F] =	sst s1;
	(tag) =	ssettag s2;
	_ =	strace s9  }
0x27: {  	s1 =	sld [smem:$0x3FAF]  }
0x28: {  	s2 =	sld [smem:$0x3FB0]  }
0x29: {  	s4 =	sld [smem:$0x3FB2]  }
0x2a: {  	p0 =	seq.s32 s5, $0x0;
	s5 =	sld [smem:$0x3FB3]  }
0x2b: {  	s6 =	sld [smem:$0x3FB4]  }
0x2c: {  	s7 =	sld [smem:$0x3FB5]  }
0x2d: {  	s3 =	simm.s32 $0x108;
	s8 =	sld [smem:$0x3FB6]  }
0x2e: {  	s3 =	simm.s32 @!p0 $0x1082;
	s9 =	sld [smem:$0x3FB7]  }
0x2f: {  	lr =	sadd.s32 s0, s3;
	s0 =	sld [smem:$0x3FAE]  }
0x30: {  	s3 =	sld [smem:$0x3FB1]  }
0x31: {  	[smem:$0x3FBA] =	sst s10  }
0x32: {  	s10 =	sld [smem:$0x3FB8];
	_ =	sdelay $0x3  }
0x33: {  	p0 =	seq.s32 s10, $0x1;
	s10 =	sld [smem:$0x3FBA];
	_ =	sdelay $0x3  }
0x34: {  	[smem:$0x3FBA] =	sst s10  }
0x35: {  	s10 =	sld [smem:$0x3FB9];
	_ =	sdelay $0x3  }
0x36: {  	p1 =	seq.s32 s10, $0x1;
	s10 =	sld [smem:$0x3FBA];
	_ =	sdelay $0x3  }
0x37: {  	[smem:$0x3FBA] =	sst s10  }
0x38: {  	s10 =	sld [smem:$0x3FBB]  }
0x39: {  	_ = 	snop;
	(pc) =	sbr.ind lr, $3  }
0x3a: {  	_ = 	snop  }
0x3b: {  	_ = 	snop  }
0x3c: {  	p2 =	seq.s32 s10, $0x1;
	s10 =	sld [smem:$0x3FBA]  }
0x3d: {  	_ =	shalt  }
0x3e: {  	_ =	shalt  }
0x3f: {  	_ =	shalt  }
0x40: {  	_ =	shalt  }
0x41: {  	_ =	shalt  }
0x42: {  	_ =	shalt  }
0x43: {  	_ =	shalt  }
0x44: {  	_ =	shalt  }
0x45: {  	_ =	shalt  }
0x46: {  	_ =	shalt  }
0x47: {  	_ =	shalt  }
0x48: {  	_ =	shalt  }
0x49: {  	_ =	shalt  }
0x4a: {  	_ =	shalt  }
0x4b: {  	_ =	shalt  }
0x4c: {  	_ =	shalt  }
0x4d: {  	_ =	shalt  }
0x4e: {  	_ =	shalt  }
0x4f: {  	_ =	shalt  }
0x50: {  	_ =	shalt  }
0x51: {  	_ =	shalt  }
0x52: {  	_ =	shalt  }
0x53: {  	_ =	shalt  }
0x54: {  	_ =	shalt  }
0x55: {  	_ =	shalt  }
0x56: {  	_ =	shalt  }
0x57: {  	_ =	shalt  }
0x58: {  	_ =	shalt  }
0x59: {  	_ =	shalt  }
0x5a: {  	_ =	shalt  }
0x5b: {  	_ =	shalt  }
0x5c: {  	_ =	shalt  }
0x5d: {  	_ =	shalt  }
0x5e: {  	_ =	shalt  }
0x5f: {  	_ =	shalt  }
0x60: {  	_ =	shalt  }
0x61: {  	_ =	shalt  }
0x62: {  	_ =	shalt  }
0x63: {  	_ =	shalt  }
0x64: {  	_ =	shalt  }
0x65: {  	_ =	shalt  }
0x66: {  	_ =	shalt  }
0x67: {  	_ =	shalt  }
0x68: {  	_ =	shalt  }
0x69: {  	_ =	shalt  }
0x6a: {  	_ =	shalt  }
0x6b: {  	_ =	shalt  }
0x6c: {  	_ =	shalt  }
0x6d: {  	_ =	shalt  }
0x6e: {  	_ =	shalt  }
0x6f: {  	_ =	shalt  }
0x70: {  	_ =	shalt  }
0x71: {  	_ =	shalt  }
0x72: {  	_ =	shalt  }
0x73: {  	_ =	shalt  }
0x74: {  	_ =	shalt  }
0x75: {  	_ =	shalt  }
0x76: {  	_ =	shalt  }
0x77: {  	_ =	shalt  }
0x78: {  	_ =	shalt  }
0x79: {  	_ =	shalt  }
0x7a: {  	_ =	shalt  }
0x7b: {  	_ =	shalt  }
0x7c: {  	_ =	shalt  }
0x7d: {  	_ =	shalt  }
0x7e: {  	_ =	shalt  }
0x7f: {  	_ =	shalt  }
0x80: {  	_ =	shalt  }
0x81: {  	_ =	shalt  }
0x82: {  	_ =	shalt  }
0x83: {  	_ =	shalt  }
0x84: {  	_ =	shalt  }
0x85: {  	_ =	shalt  }
0x86: {  	_ =	shalt  }
0x87: {  	_ =	shalt  }
.Lfunc_end0:
.L_simem_size_0:
called_computation.3_lowered:
.L_overlay_start_0:
0x88: {  	s2 =	sld [smem:$0x3FD9]  }
0x89: {  	s3 =	sld [smem:$0x3FFE];
	_ =	sdelay $0x1  }
0x8a: {  	s1 =	srdreg.scid  }
0x8b: {  	s0 =	sand.u32 $0x1, s1  }
0x8c: {  	s16 =	sshll.u32 s0, $0xA;
	s2 =	sadd.s32 s3, s2  }
0x8d: {  	s2 =	sadd.s32 s2, s16  }
0x8e: {  	[smem:$0x3FC6] =	sst s2  }
0x8f: {  	_ = 	snop  }
0x90: {  	(tm) =	ssettm $0x1  }
0x91: {  	s17 =	sld [smem:$0x3FFB];
	_ =	sdelay $0x3  }
0x92: {  	_ =	strace s17  }
0x93: {  	s2 =	sld [smem:$0x3FFC];
	_ =	sdelay $0x3  }
0x94: {  	_ =	strace s2  }
0x95: {  	s2 =	sld [smem:$0x3FFD];
	_ =	sdelay $0x3  }
0x96: {  	_ =	strace s2  }
0x97: {  	_ =	strace $0x8FFFFFFF  }
0x98: {  	s18 =	sld [smem:$0x3FDB];
	_ =	sdelay $0x1  }
0x99: {  	s19 =	simm.s32 $_scs_section_size  }
0x9a: {  	s4 =	simm.s32 $_size__tile_overlayer_lowered;
	s5 =	simm.s32 $_tile_overlayer_lowered  }
0x9b: {  	s22 =	simm.s32 $0x1BFF;
	s21 =	sshll.u32 s5, $0x1;
	s2 =	sadd.s32 s19, s18  }
0x9c: {  	s6 =	simm.s32 $0x0;
	s20 =	sshll.u32 s4, $0x1;
	s4 =	sadd.s32 s21, s2  }
0x9d: {  	[timem:s6], [sflag:s22] =	dma.local [hbm:s4], s20  }
0x9e: {  	_ =	swait.ge [sflag:s22], s20  }
0x9f: {  	s3 =	ssub.s32 $0x0, s20;
	[sflag:s22] =	ssyncset.done $0x0  }
0xa0: {  	[sflag:s22] =	ssyncadd.s32 s3;
	_ =	sdelay $0x1  }
0xa1: {  	s23 =	simm.s32 $0x1B8B  }
0xa2: {  	_ =	swait.ge [sflag:s23], $0x1  }
0xa3: {  	[sflag:s23] =	ssyncset.done $0x0  }
0xa4: {  	s25 =	simm.s32 $0x1B8E;
	s24 =	sld [smem:$0x3FFE];
	[sflag:s23] =	ssyncadd.s32 $0xFFFFFFFF  }
0xa5: {  	s26 =	simm.s32 $execute0_lowered;
	[smem:$0x3FD2] =	sst s25  }
0xa6: {  	s4 =	sshll.u32 s26, $0x1;
	_ =	strace $0x8000004C;
	[dreg:$0x1] =	wrdreg $0xFFFFFFFF  }
0xa7: {  	s28 =	simm.s32 $_size_execute0_lowered;
	s2 =	sadd.s32 s2, s4;
	[dreg:$0x0] =	wrdreg $0x0  }
0xa8: {  	s4 =	sshll.u32 s28, $0x1;
	[dreg:$0x2] =	wrdreg s2  }
0xa9: {  	[dreg:$0x3] =	wrdreg s4  }
0xaa: {  	[dreg:$0x4] =	wrdreg $0xC0  }
0xab: {  	_ =	task [dreg:s6], $0x5FFFF  }
0xac: {  	[dreg:$0x1] =	wrdreg $0xFFFFFFFF  }
0xad: {  	[dreg:$0x0] =	wrdreg $0x60  }
0xae: {  	[dreg:$0x2] =	wrdreg s24  }
0xaf: {  	[dreg:$0x3] =	wrdreg $0x9  }
0xb0: {  	_ =	task.clear_ibuf [dreg:s6], $0x4FFFF;
	_ =	strace $0x9000004C  }
0xb1: {  	s29 =	simm.s32 $0x9;
	_ =	strace $0x8000004E  }
0xb2: {  	_ =	swait.ge [sflag:s29], $0x1  }
0xb3: {  	[sflag:s29] =	ssyncadd.s32 $0xFFFFFFFF  }
0xb4: {  	_ =	strace $0x9000004E  }
0xb5: {  	_ =	sfence  }
0xb6: {  	s30 =	sld [smem:$0x0];
	_ =	sdelay $0x2  }
0xb7: {  	s31 =	sshll.u32 s1, $0xD;
	s1 =	sshrl.u32 s1, $0x2  }
0xb8: {  	s3 =	sand.u32 $0x4000, s31;
	s1 =	sadd.s32 s1, s30  }
0xb9: {  	s0 =	sor.u32 s3, s0;
	s1 =	sshll.u32 s1, $0x11  }
0xba: {  	s0 =	sor.u32 s1, s0  }
0xbb: {  	s0 =	sadd.s32 $0x8F2B, s0  }
0xbc: {  	[sflag:s0] =	ssyncadd.remote.s32 $0x1  }
0xbd: {  	_ =	sfence.sel $0xFFFF  }
0xbe: {  	[dreg:$0x0] =	wrdreg $0xFFFFFFFF;
	(pc) =	sbr.abs _section_cstart, $3  }
0xbf: {  	[dreg:$0x1] =	wrdreg $0xFFFFFFFF  }
0xc0: {  	_ =	task.clear_ibuf [dreg:s6], $0x2FFFF;
	_ =	strace $0x9FFFFFFF  }
0xc1: {  	(tm) =	ssettm $0x7FFFFFFF  }
tec
execute0_lowered:
.L_overlay_start_1:
0x0: {  	(tag) =	ssettag $0x1  }
0x1: {  	s0 =	srdreg.scid  }
0x2: {  	s2 =	stileid.u32;
	s1 =	rddreg [dreg:$0x0]  }
0x3: {  	s17 =	simm.s32 $0x1;
	s25 =	simm.s32 $0xBC00;
	s26 =	simm.s32 $0xD380  }
0x4: {  	s28 =	simm.s32 $0xEB00;
	s29 =	simm.s32 $0x10280;
	s30 =	simm.s32 $0x11A00  }
0x5: {  	s31 =	simm.s32 $0x13180;
	s0 =	sand.u32 $0x1, s0;
	s2 =	sshll.u32 s2, $0x1  }
0x6: {  	s3 =	sor.u32 s0, s2;
	s2 =	simm.s32 $0x0;
	s0 =	ssub.s32 $0x2, s0  }
0x7: {  	s4 =	smul.u32 $0x1400, s3;
	s3 =	sand.u32 $0x3, s3;
	[smem:$0x7FF] =	sst s2  }
0x8: {  	s7 =	sshrl.u32 s0, $0x1;
	s5 =	smul.u32 $0x1780, s3;
	_ =	strace $0x8000004D  }
0x9: {  	s6 =	smul.u32 $0x2F0, s3;
	s0 =	ssub.s32 s0, s7;
	s24 =	scvt.s32.f32 s3  }
0xa: {  	s4 =	sshrl.u32 s4, $0x3;
	s16 =	smax.u32 s0, $0x1;
	s5 =	sshrl.u32 s5, $0x3  }
0xb: {  	s4 =	sadd.s32 s4, s1;
	s5 =	sadd.s32 s1, s5;
	s1 =	sadd.s32 s1, s6  }
0xc: {  	s0 =	simm.s32 $0x13980;
	[dreg:$0x2] =	wrdreg s1;
	s18 =	sadd.s32 $0xBC0, s5  }
0xd: {  	s11 =	sadd.s32 $0x5E00, s4;
	s19 =	sadd.s32 $0x1780, s5;
	[dreg:$0x3] =	wrdreg s18  }
0xe: {  	s12 =	sadd.s32 $0x5E80, s4;
	s20 =	sadd.s32 $0x2340, s5;
	[dreg:$0x4] =	wrdreg s19  }
0xf: {  	s13 =	sadd.s32 $0x5F00, s4;
	s21 =	sadd.s32 $0x2F00, s5;
	[dreg:$0x5] =	wrdreg s20  }
0x10: {  	s14 =	sadd.s32 $0x5F80, s4;
	s22 =	sadd.s32 $0x3AC0, s5;
	[dreg:$0x6] =	wrdreg s21  }
0x11: {  	s15 =	sadd.s32 $0x6000, s4;
	s23 =	sadd.s32 $0x4680, s5;
	[dreg:$0x7] =	wrdreg s22  }
0x12: {  	v1 =	vimm.f32 $1.000000000e+09;
	v2 =	vimm.f32 $0.0e+00;
	vm0 =	vmxor vm0, vm0;
	s10 =	sadd.s32 $0x5240, s5;
	s1 =	simm.s32 $0x13580;
	[dreg:$0x8] =	wrdreg s23  }
0x13: {  	vm1 =	vmmov $0x1;
	v3 =	vlaneseq.u32;
	v0 =	vmov s24;
	s18 =	simm.s32 $0x13D80;
	s19 =	simm.s32 $0x14180;
	s21 =	simm.s32 $0x0  }
.LBB2_1:
0x14: {  	s3 =	rddreg [dreg:$0x2]  }
0x15: {  	[tilespmem:s2], [sflag:$0x1] =	stream.linear.gather [hbm4b:s3+s2], $0x1780, $0x38;
	[tilespmem:$0x14980] =	vst v63  }
0x16: {  	_ =	swait.ge [sflag:s17], $0x1780  }
0x17: {  	[sflag:s17] =	ssyncset.done $0x0  }
0x18: {  	s4 =	simm.s32 $0x1780;
	s22 =	rddreg [dreg:$0x3];
	[sflag:s17] =	ssyncadd.s32 $0xFFFFE880  }
0x19: {  	[tilespmem:s4], [sflag:$0x1] =	stream.linear.gather [hbm4b:s22+s2], $0x1780, $0x38;
	[tilespmem:$0x14980] =	vst v63  }
0x1a: {  	_ =	swait.ge [sflag:s17], $0x1780  }
0x1b: {  	[sflag:s17] =	ssyncset.done $0x0  }
0x1c: {  	s24 =	simm.s32 $0x2F00;
	s23 =	rddreg [dreg:$0x4];
	[sflag:s17] =	ssyncadd.s32 $0xFFFFE880  }
0x1d: {  	[tilespmem:s24], [sflag:$0x1] =	stream.linear.gather [hbm4b:s23+s2], $0x1780, $0x38;
	[tilespmem:$0x14980] =	vst v63  }
0x1e: {  	_ =	swait.ge [sflag:s17], $0x1780  }
0x1f: {  	[sflag:s17] =	ssyncset.done $0x0  }
0x20: {  	s6 =	simm.s32 $0x4680;
	s5 =	rddreg [dreg:$0x5];
	[sflag:s17] =	ssyncadd.s32 $0xFFFFE880  }
0x21: {  	[tilespmem:s6], [sflag:$0x1] =	stream.linear.gather [hbm4b:s5+s2], $0x1780, $0x38;
	[tilespmem:$0x14980] =	vst v63  }
0x22: {  	_ =	swait.ge [sflag:s17], $0x1780  }
0x23: {  	[sflag:s17] =	ssyncset.done $0x0  }
0x24: {  	s8 =	simm.s32 $0x5E00;
	s7 =	rddreg [dreg:$0x6];
	[sflag:s17] =	ssyncadd.s32 $0xFFFFE880  }
0x25: {  	[tilespmem:s8], [sflag:$0x1] =	stream.linear.gather [hbm4b:s7+s2], $0x1780, $0x38;
	[tilespmem:$0x14980] =	vst v63  }
0x26: {  	_ =	swait.ge [sflag:s17], $0x1780  }
0x27: {  	[sflag:s17] =	ssyncset.done $0x0  }
0x28: {  	s20 =	simm.s32 $0x7580;
	s9 =	rddreg [dreg:$0x7];
	[sflag:s17] =	ssyncadd.s32 $0xFFFFE880  }
0x29: {  	[tilespmem:s20], [sflag:$0x1] =	stream.linear.gather [hbm4b:s9+s2], $0x1780, $0x38;
	[tilespmem:$0x14980] =	vst v63  }
0x2a: {  	_ =	swait.ge [sflag:s17], $0x1780  }
0x2b: {  	[sflag:s17] =	ssyncset.done $0x0  }
0x2c: {  	s23 =	simm.s32 $0x8D00;
	s22 =	rddreg [dreg:$0x8];
	[sflag:s17] =	ssyncadd.s32 $0xFFFFE880  }
0x2d: {  	[tilespmem:s23], [sflag:$0x1] =	stream.linear.gather [hbm4b:s22+s2], $0x1780, $0x38;
	[tilespmem:$0x14980] =	vst v63  }
0x2e: {  	_ =	swait.ge [sflag:s17], $0x1780  }
0x2f: {  	[sflag:s17] =	ssyncset.done $0x0  }
0x30: {  	s24 =	simm.s32 $0xA480;
	[sflag:s17] =	ssyncadd.s32 $0xFFFFE880  }
0x31: {  	[tilespmem:s24], [sflag:$0x1] =	stream.linear.gather [hbm4b:s10+s2], $0x1780, $0x38;
	[tilespmem:$0x14980] =	vst v63  }
0x32: {  	_ =	swait.ge [sflag:s17], $0x1780  }
0x33: {  	[sflag:s17] =	ssyncset.done $0x0  }
0x34: {  	s20 =	simm.s32 $0x0;
	[sflag:s17] =	ssyncadd.s32 $0xFFFFE880  }
0x35: {  	v4 =	vld [tilespmem:s20+$0x5E00]  }
0x36: {  	v5 =	vld [tilespmem:s20+$0x7580]  }
0x37: {  	v6 =	vld [tilespmem:s20+$0x2F00]  }
0x38: {  	v8 =	vld [tilespmem:s20+$0x0]  }
0x39: {  	v7 =	vld [tilespmem:s20+$0x4680]  }
0x3a: {  	v10 =	vld [tilespmem:s20+$0x1780]  }
0x3b: {  	v9 =	vld [tilespmem:s20+$0x8D00]  }
0x3c: {  	s3 =	simm.s32 $0x10;
	v11 =	vld [tilespmem:s20+$0xA480]  }
0x3d: {  	v12 =	vld [tilespmem:s3+$0x5E00]  }
0x3e: {  	v14 =	vld [tilespmem:s3+$0x2F00];
	v6 =	vsub.f32 v6, v8  }
0x3f: {  	v13 =	vmul.f32 $1.000000010e-01, v4;
	v4 =	vld [tilespmem:s3+$0x0]  }
0x40: {  	v15 =	vsub.f32 v7, v10;
	v7 =	vld [tilespmem:s3+$0x7580];
	v16 =	vmul.f32 $5.000000000e-01, v6  }
0x41: {  	v13 =	vmul.f32 v13, v6;
	v6 =	vmul.f32 v9, v6;
	v9 =	vld [tilespmem:s3+$0x4680]  }
0x42: {  	v5 =	vmul.f32 $1.000000010e-01, v5;
	v17 =	vmul.f32 $5.000000000e-01, v15;
	v16 =	vadd.f32 v16, v8;
	v8 =	vld [tilespmem:s3+$0x1780];
	_ =	sdelay $0x1  }
0x43: {  	v18 =	vmul.f32 v5, v15;
	v15 =	vmul.f32 v11, v15;
	v17 =	vadd.f32 v17, v10  }
0x44: {  	v11 =	vmul.f32 $1.000000010e-01, v12;
	v10 =	vmul.f32 $5.000000000e-01, v6;
	v5 =	vsub.f32 v14, v4  }
0x45: {  	s4 =	simm.s32 $0x80;
	v6 =	vld [tilespmem:s3+$0x8D00];
	v14 =	vmul.f32 $5.000000000e-01, v15;
	v12 =	vadd.f32 v13, v16;
	v13 =	vadd.f32 v18, v17  }
.LBB2_2:
0x46: {  	p0 =	sne.s32 s4, $0x5DC0;
	v15 =	vsub.f32 v9, v8;
	v9 =	vmul.f32 $1.000000010e-01, v7;
	v16 =	vld [tilespmem:s3+$0xA480];
	v17 =	vmov v8;
	s5 =	smov.u32 s3;
	s3 =	sshra.s32 s4, $0x2  }
0x47: {  	v19 =	vmul.f32 v11, v5;
	v18 =	vld [tilespmem:s3+$0x5E00];
	v8 =	vsub.f32 v12, v10;
	v11 =	vsub.f32 v13, v14  }
0x48: {  	v7 =	vld [tilespmem:s3+$0x7580];
	v20 =	vmul.f32 v9, v15;
	v9 =	vadd.f32 v10, v12;
	v10 =	vadd.f32 v14, v13  }
0x49: {  	v13 =	vmul.f32 $5.000000000e-01, v5;
	v12 =	vld [tilespmem:s3+$0x2F00];
	v8 =	vmax.f32 v8, $0.0e+00;
	v11 =	vmax.f32 v11, $0.0e+00  }
0x4a: {  	v14 =	vld [tilespmem:s3+$0x0];
	v21 =	vmin.f32 v8, $5.120000000e+02;
	v8 =	vmax.f32 v9, $0.0e+00;
	v10 =	vmax.f32 v10, $0.0e+00  }
0x4b: {  	v11 =	vmin.f32 v11, $5.120000000e+02;
	v9 =	vld [tilespmem:s3+$0x4680];
	v22 =	vmin.f32 v8, $5.120000000e+02;
	v10 =	vmin.f32 v10, $5.120000000e+02;
	[tilespmem:s20+$0xBC00] =	vst v21  }
.Ltmp0:
0x4c: {  	v23 =	vmul.f32 $5.000000000e-01, v15;
	v8 =	vld [tilespmem:s3+$0x1780];
	[tilespmem:s20+$0xD380] =	vst v11;
	v21 =	vsub.f32 v22, v21;
	v11 =	vsub.f32 v10, v11;
	(pc) =	sbr.rel @p0 .LBB2_2-.Ltmp0, $4  }
0x4d: {  	v6 =	vmul.f32 v6, v5;
	v15 =	vmul.f32 v16, v15;
	[tilespmem:s20+$0xEB00] =	vst v22  }
0x4e: {  	v13 =	vadd.f32 v13, v4;
	v16 =	vadd.f32 v23, v17;
	[tilespmem:s20+$0x10280] =	vst v10;
	v17 =	vmul.f32 v11, v21  }
0x4f: {  	v11 =	vmul.f32 $1.000000010e-01, v18;
	v10 =	vmul.f32 $5.000000000e-01, v6;
	v5 =	vsub.f32 v12, v14;
	v4 =	vmovc v14  }
0x50: {  	s4 =	sadd.s32 $0x40, s4;
	v12 =	vadd.f32 v19, v13;
	v13 =	vadd.f32 v20, v16;
	v14 =	vmul.f32 $5.000000000e-01, v15;
	v6 =	vld [tilespmem:s3+$0x8D00];
	[tilespmem:s20+$0x11A00] =	vst v17;
	s20 =	smov.u32 s5  }
0x51: {  	v9 =	vsub.f32 v9, v8  }
0x52: {  	v7 =	vmul.f32 $1.000000010e-01, v7;
	v11 =	vmul.f32 v11, v5;
	v16 =	vsub.f32 v12, v10  }
0x53: {  	v15 =	vld [tilespmem:s3+$0xA480];
	v48 =	vmul.f32 $5.000000000e-01, v5;
	v17 =	vsub.f32 v13, v14;
	v46 =	vadd.f32 v10, v12  }
0x54: {  	v47 =	vadd.f32 v14, v13;
	v7 =	vmul.f32 v7, v9;
	v51 =	vmul.f32 $5.000000000e-01, v9  }
0x55: {  	v4 =	vadd.f32 v48, v4;
	v49 =	vmax.f32 v16, $0.0e+00;
	v50 =	vmax.f32 v17, $0.0e+00  }
0x56: {  	v10 =	vmax.f32 v46, $0.0e+00;
	v12 =	vmax.f32 v47, $0.0e+00;
	v14 =	vmin.f32 v49, $5.120000000e+02  }
0x57: {  	v16 =	vmin.f32 v50, $5.120000000e+02;
	v5 =	vmul.f32 v6, v5;
	v53 =	vadd.f32 v51, v8  }
0x58: {  	v54 =	vmin.f32 v10, $5.120000000e+02;
	v55 =	vmin.f32 v12, $5.120000000e+02;
	v52 =	vmul.f32 v15, v9  }
0x59: {  	v4 =	vadd.f32 v11, v4;
	v56 =	vsub.f32 v54, v14;
	v5 =	vmul.f32 $5.000000000e-01, v5  }
0x5a: {  	v57 =	vsub.f32 v55, v16;
	v7 =	vadd.f32 v7, v53;
	v6 =	vmul.f32 $5.000000000e-01, v52  }
0x5b: {  	[tilespmem:s20+$0xBC00] =	vst v14;
	v58 =	vsub.f32 v4, v5;
	v4 =	vadd.f32 v5, v4  }
0x5c: {  	[tilespmem:s20+$0xD380] =	vst v16;
	v59 =	vsub.f32 v7, v6;
	v5 =	vadd.f32 v6, v7  }
0x5d: {  	[tilespmem:s20+$0xEB00] =	vst v54;
	v60 =	vmul.f32 v57, v56;
	v61 =	vmax.f32 v58, $0.0e+00;
	v4 =	vmax.f32 v4, $0.0e+00  }
0x5e: {  	[tilespmem:s20+$0x10280] =	vst v55;
	v62 =	vmax.f32 v59, $0.0e+00;
	v7 =	vmin.f32 v61, $5.120000000e+02;
	v5 =	vmax.f32 v5, $0.0e+00  }
0x5f: {  	[tilespmem:s20+$0x11A00] =	vst v60;
	v4 =	vmin.f32 v4, $5.120000000e+02;
	v63 =	vmin.f32 v62, $5.120000000e+02;
	v5 =	vmin.f32 v5, $5.120000000e+02  }
0x60: {  	[tilespmem:s3+$0xBC00] =	vst v7;
	v7 =	vsub.f32 v4, v7;
	v8 =	vsub.f32 v5, v63  }
0x61: {  	[tilespmem:s3+$0xEB00] =	vst v4  }
0x62: {  	[tilespmem:s3+$0xD380] =	vst v63;
	v4 =	vmul.f32 v8, v7  }
0x63: {  	[tilespmem:s3+$0x10280] =	vst v5  }
0x64: {  	[tilespmem:s3+$0x11A00] =	vst v4;
	s3 =	simm.s32 $0x0  }
0x65: {  	[tilespmem:s3+$0x14580] =	vst v0  }
0x66: {  	[tilespmem:s3+$0x13180] =	vst v1  }
0x67: {  	[tilespmem:s3+$0x13580] =	vst v1  }
0x68: {  	[tilespmem:s3+$0x13980] =	vst v1  }
0x69: {  	s22 =	simm.s32 $0x0;
	s4 =	simm.s32 $0x40;
	[tilespmem:s3+$0x13D80] =	vst v1  }
.LBB2_4:
0x6a: {  	p0 =	seq.s32 s4, $0xFC0;
	[tilespmem:s3+$0x14180] =	vst v2;
	s3 =	sshra.s32 s4, $0x2;
	s4 =	sadd.s32 $0x40, s4  }
.Ltmp1:
0x6b: {  	[tilespmem:s3+$0x14580] =	vst v0;
	(pc) =	sbr.rel @!p0 .LBB2_4-.Ltmp1, $4  }
0x6c: {  	[tilespmem:s3+$0x13180] =	vst v1  }
0x6d: {  	[tilespmem:s3+$0x13580] =	vst v1  }
0x6e: {  	[tilespmem:s3+$0x13980] =	vst v1  }
0x6f: {  	[tilespmem:s3+$0x13D80] =	vst v1  }
.Ltmp2:
0x70: {  	(pc) =	sbr.rel .LBB2_6-.Ltmp2, $2  }
0x71: {  	_ =	sdelay $0x2  }
0x72: {  	[tilespmem:s3+$0x14180] =	vst v2;
	s23 =	simm.s32 $0x0  }
.LBB2_19:
0x73: {  	s23 =	sadd.s32 $0x1, s23  }
0x74: {  	p0 =	seq.s32 s23, $0x177  }
.Ltmp3:
0x75: {  	_ = 	snop;
	(pc) =	sbr.rel @p0 .LBB2_20-.Ltmp3, $1  }
0x76: {  	_ =	sdelay $0x3  }
.LBB2_6:
0x77: {  	p0 =	sgt.s32 s22, $0x3E7  }
.Ltmp4:
0x78: {  	_ = 	snop;
	(pc) =	sbr.rel @p0 .LBB2_19-.Ltmp4, $1  }
0x79: {  	_ =	sdelay $0x3  }
.Ltmp5:
0x7a: {  	(pc) =	sbr.rel .LBB2_8-.Ltmp5, $2  }
0x7b: {  	_ =	sdelay $0x2  }
0x7c: {  	s24 =	sshll.u32 s23, $0x4;
	s20 =	simm.s32 $0x0  }
.LBB2_24:
0x7d: {  	v9 =	vpsel p0, $0x0, v2  }
.LBB2_18:
0x7e: {  	(xrf0) =	vmax.scan.msk.f32 $0xffff, v9;
	_ =	sdelay $0x5  }
0x7f: {  	v9, _, _ =	vpop (xrf0)  }
0x80: {  	(v2sf) =	vpush v9, $0xF;
	_ =	sdelay $0xe  }
0x81: {  	s3 =	spop (v2sf)  }
0x82: {  	p0 =	sgt.f32 s3, $0.0e+00;
	_ =	sdelay $0x1  }
0x83: {  	p1 =	slt.s32 s22, $0x3E8;
	p0 =	por !p0, !p0  }
0x84: {  	p0 =	por !p1, !p0  }
0x85: {  	vm2 =	vmmov vm0;
	p0 =	por !p0, !p0  }
0x86: {  	vm2 =	vmneg @p0 vm2  }
0x87: {  	vm2 =	vmand vm2, vm1  }
0x88: {  	v63 =	vmov s22;
	_ =	sdelay $0x2  }
0x89: {  	s20 =	sadd.s32 $0x1, s20;
	s3 =	simm.s32 $0x1  }
0x8a: {  	s3 =	simm.s32 @!p0 $0x0;
	p0 =	sne.s32 s20, $0x10  }
.Ltmp6:
0x8b: {  	[tilespmem:v63+s31+$0x0] =	vst.idx.msk vm2, v4;
	(pc) =	sbr.rel @!p0 .LBB2_19-.Ltmp6, $4  }
0x8c: {  	[tilespmem:v63+s1+$0x0] =	vst.idx.msk vm2, v5  }
0x8d: {  	[tilespmem:v63+s0+$0x0] =	vst.idx.msk vm2, v8  }
0x8e: {  	[tilespmem:v63+s18+$0x0] =	vst.idx.msk vm2, v7  }
0x8f: {  	s22 =	sadd.s32 s3, s22;
	[tilespmem:v63+s19+$0x0] =	vst.idx.msk vm2, v6  }
.LBB2_8:
0x90: {  	s8 =	sadd.s32 $0x1F, s22  }
0x91: {  	s4 =	sand.u32 $0x1F, s8  }
0x92: {  	s9 =	sshra.s32 s8, $0x1F;
	p1 =	slt.s32 s8, $0x1;
	p0 =	sne.s32 s4, $0x0  }
0x93: {  	s3 =	sadd.s32 s24, s20;
	s4 =	sshrl.u32 s9, $0x1B;
	p0 =	por !p1, !p0  }
0x94: {  	v6 =	vmov s3;
	s3 =	sadd.s32 s4, s8;
	s4 =	simm.s32 $0x1;
	p0 =	por !p0, !p0  }
0x95: {  	s3 =	sshra.s32 s3, $0x5;
	s4 =	simm.s32 @!p0 $0x0  }
0x96: {  	p0 =	sgt.s32 s22, $0x3E7;
	s3 =	ssub.s32 s3, s4  }
0x97: {  	p1 =	slt.s32 @!p0 s3, $0x1  }
0x98: {  	p1 =	por p0, p1  }
.Ltmp7:
0x99: {  	v4 =	vld.idx.msk [tilespmem:v6+s25+$0x0], $0xffff;
	(pc) =	sbr.rel @p1 .LBB2_24-.Ltmp7, $4  }
0x9a: {  	v5 =	vld.idx.msk [tilespmem:v6+s26+$0x0], $0xffff  }
0x9b: {  	v8 =	vld.idx.msk [tilespmem:v6+s28+$0x0], $0xffff  }
0x9c: {  	v7 =	vld.idx.msk [tilespmem:v6+s29+$0x0], $0xffff  }
0x9d: {  	v6 =	vld.idx.msk [tilespmem:v6+s30+$0x0], $0xffff  }
0x9e: {  	s8 =	simm.s32 $0x13990  }
0x9f: {  	s6 =	simm.s32 $0x13590;
	v10 =	vld [tilespmem:s8+$0x0]  }
0xa0: {  	v11 =	vld [tilespmem:s6+$0xFFFFFFF0]  }
0xa1: {  	s5 =	simm.s32 $0x13D90;
	v13 =	vld [tilespmem:s8+$0xFFFFFFF0]  }
0xa2: {  	s7 =	simm.s32 $0x13190;
	v14 =	vld [tilespmem:s5+$0x0]  }
0xa3: {  	p2 =	sgt.s32 s3, $0x1;
	v19 =	vld [tilespmem:s7+$0x0]  }
.Ltmp8:
0xa4: {  	v15 =	vld [tilespmem:s7+$0xFFFFFFF0];
	(pc) =	sbr.rel @!p2 .LBB2_10-.Ltmp8, $4  }
0xa5: {  	s4 =	simm.s32 $0x14190;
	v12 =	vld [tilespmem:s6+$0x0]  }
0xa6: {  	v9 =	vld [tilespmem:s4+$0x0]  }
0xa7: {  	v18 =	vld [tilespmem:s5+$0xFFFFFFF0];
	v17 =	vmin.f32 v13, v8;
	v13 =	vmin.f32 v14, v7  }
0xa8: {  	p0 =	por $0x0, $0x0;
	p1 =	por $0x0, $0x0;
	v16 =	vmax.f32 v11, v5;
	v14 =	vld [tilespmem:s4+$0xFFFFFFF0];
	v22 =	vmax.f32 v19, v4;
	v23 =	vmin.f32 v10, v8;
	s4 =	simm.s32 $0x139B0  }
0xa9: {  	v19 =	vld [tilespmem:s4+$0x0]  }
0xaa: {  	v21 =	vld [tilespmem:s4+$0xFFFFFFF0];
	s8 =	simm.s32 $0x131B0  }
0xab: {  	v10 =	vmax.f32 v15, v4;
	v11 =	vsub.f32 v23, v22;
	s6 =	simm.s32 $0x13DB0;
	v22 =	vld [tilespmem:s8+$0x0]  }
0xac: {  	s5 =	simm.s32 $0x135B0;
	v10 =	vsub.f32 v17, v10;
	v12 =	vmax.f32 v12, v5;
	v15 =	vmin.f32 v18, v7;
	v18 =	vld [tilespmem:s6+$0x0]  }
0xad: {  	p2 =	sgt.s32 s3, $0x2;
	v20 =	vld [tilespmem:s5+$0xFFFFFFF0];
	v13 =	vsub.f32 v13, v12;
	v16 =	vsub.f32 v15, v16  }
.Ltmp9:
0xae: {  	s9 =	simm.s32 $0x141B0;
	v11 =	vmax.f32 v11, $0.0e+00;
	v12 =	vld [tilespmem:s5+$0x0];
	v24 =	vadd.f32 v9, v6;
	v10 =	vmax.f32 v10, $0.0e+00;
	(pc) =	sbr.rel @!p2 .LBB2_12-.Ltmp9, $4  }
0xaf: {  	v9 =	vld [tilespmem:s9+$0x0];
	v14 =	vadd.f32 v14, v6;
	v13 =	vmax.f32 v13, $0.0e+00;
	v16 =	vmax.f32 v16, $0.0e+00  }
0xb0: {  	v15 =	vld [tilespmem:s8+$0xFFFFFFF0];
	v11 =	vmul.f32 v13, v11;
	v17 =	vmin.f32 v21, v8;
	v10 =	vmul.f32 v16, v10  }
0xb1: {  	v23 =	vmin.f32 v19, v8;
	v22 =	vmax.f32 v22, v4;
	v13 =	vmin.f32 v18, v7;
	v18 =	vld [tilespmem:s6+$0xFFFFFFF0]  }
0xb2: {  	p0 =	por $0x1, $0x1;
	v16 =	vmax.f32 v20, v5;
	v19 =	vsub.f32 v24, v11;
	s6 =	simm.s32 $0x139D0;
	v20 =	vsub.f32 v14, v10;
	v14 =	vld [tilespmem:s9+$0xFFFFFFF0]  }
0xb3: {  	_ = 	snop  }
0xb4: {  	v20 =	vadd.f32 $9.999999930e-09, v20  }
0xb5: {  	v25 =	vld [tilespmem:s6+$0x0];
	v21 =	vsub.f32 v23, v22  }
0xb6: {  	s5 =	simm.s32 $0x13DD0;
	v23 =	vld [tilespmem:s6+$0xFFFFFFF0];
	v19 =	vadd.f32 $9.999999930e-09, v19;
	v15 =	vmax.f32 v15, v4;
	(erf) = vrcp.f32 v20  }
0xb7: {  	s4 =	simm.s32 $0x135D0;
	v12 =	vmax.f32 v12, v5;
	v26 =	vld [tilespmem:s5+$0x0];
	v17 =	vsub.f32 v17, v15;
	v15 =	vmin.f32 v18, v7  }
0xb8: {  	s6 =	simm.s32 $0x131D0;
	v22 =	vld [tilespmem:s4+$0xFFFFFFF0];
	v13 =	vsub.f32 v13, v12;
	v16 =	vsub.f32 v15, v16;
	(erf) = vrcp.f32 v19  }
0xb9: {  	p2 =	sgt.s32 s3, $0x3;
	v27 =	vld [tilespmem:s6+$0x0];
	v28 =	vadd.f32 v9, v6;
	v18 =	vmax.f32 v21, $0.0e+00  }
.Ltmp10:
0xba: {  	v13 =	vmax.f32 v13, $0.0e+00;
	v15 =	vld [tilespmem:s6+$0xFFFFFFF0];
	v17 =	vmax.f32 v17, $0.0e+00;
	v16 =	vmax.f32 v16, $0.0e+00;
	(pc) =	sbr.rel @!p2 .LBB2_14-.Ltmp10, $4  }
0xbb: {  	s7 =	simm.s32 $0x141D0;
	v12 =	vld [tilespmem:s4+$0x0];
	v14 =	vadd.f32 v14, v6;
	v21 =	vmul.f32 v13, v18;
	v24 =	vmul.f32 v16, v17  }
0xbc: {  	vm2 =	vmmov vm0;
	v9 =	vld [tilespmem:s7+$0x0];
	v13 =	vmin.f32 v26, v7  }
0xbd: {  	v18 =	vld [tilespmem:s5+$0xFFFFFFF0];
	v19 =	vsub.f32 v28, v21;
	v17 =	vmin.f32 v23, v8;
	v20 =	vsub.f32 v14, v24  }
0xbe: {  	s8 =	simm.s32 $0x3;
	s9 =	simm.s32 $0x139F0;
	p1 =	por $0x1, $0x1;
	v16 =	vmax.f32 v22, v5;
	v22 =	vmax.f32 v27, v4;
	v23 =	vmin.f32 v25, v8;
	v14 =	vld [tilespmem:s7+$0xFFFFFFF0]  }
.LBB2_15:
0xbf: {  	v25 =	vld [tilespmem:s9+$0x0];
	v15 =	vmax.f32 v15, v4;
	v22 =	vsub.f32 v23, v22;
	s5 =	sadd.s32 $0x20, s5;
	s4 =	sadd.s32 $0x20, s4;
	s6 =	sadd.s32 $0x20, s6;
	v27 =	vadd.f32 $9.999999930e-09, v20;
	v23 =	vpop (erf)  }
0xc0: {  	s8 =	sadd.s32 $0x1, s8;
	v26 =	vld [tilespmem:s4+$0xFFFFFFF0];
	v17 =	vsub.f32 v17, v15;
	v15 =	vmul.f32 v23, v10;
	v10 =	vmov v24  }
0xc1: {  	p2 =	sgt.s32 s3, s8;
	v19 =	vadd.f32 $9.999999930e-09, v19;
	v23 =	vld [tilespmem:s9+$0xFFFFFFF0];
	v22 =	vmax.f32 v22, $0.0e+00;
	(erf) = vrcp.f32 v27;
	v20 =	vpop (erf)  }
0xc2: {  	v12 =	vmax.f32 v12, v5;
	v27 =	vld [tilespmem:s5+$0x0];
	v18 =	vmin.f32 v18, v7;
	vm3 =	vgt.f32 v15, $6.999999880e-01  }
0xc3: {  	s7 =	sadd.s32 $0x20, s7;
	v13 =	vsub.f32 v13, v12;
	v28 =	vld [tilespmem:s6+$0x0];
	v16 =	vsub.f32 v18, v16;
	(erf) = vrcp.f32 v19  }
0xc4: {  	v17 =	vmax.f32 v17, $0.0e+00;
	v14 =	vadd.f32 v14, v6;
	v18 =	vmul.f32 v20, v11;
	v11 =	vmovc v21;
	v15 =	vld [tilespmem:s6+$0xFFFFFFF0]  }
.Ltmp11:
0xc5: {  	v13 =	vmax.f32 v13, $0.0e+00;
	v19 =	vadd.f32 v9, v6;
	v12 =	vld [tilespmem:s4+$0x0];
	v16 =	vmax.f32 v16, $0.0e+00;
	(pc) =	sbr.rel @p2 .LBB2_15-.Ltmp11, $4  }
0xc6: {  	v21 =	vmul.f32 v13, v22;
	vm4 =	vgt.f32 v18, $6.999999880e-01;
	v24 =	vmul.f32 v16, v17  }
0xc7: {  	v17 =	vmin.f32 v23, v8;
	vm3 =	vmor vm3, vm4;
	v13 =	vmin.f32 v27, v7;
	v9 =	vld [tilespmem:s7+$0x0]  }
0xc8: {  	v16 =	vmax.f32 v26, v5;
	vm2 =	vmor vm2, vm3;
	v18 =	vld [tilespmem:s5+$0xFFFFFFF0];
	v20 =	vsub.f32 v14, v24  }
0xc9: {  	s9 =	sadd.s32 $0x20, s9;
	v19 =	vsub.f32 v19, v21;
	v23 =	vmin.f32 v25, v8;
	v22 =	vmax.f32 v28, v4;
	v14 =	vld [tilespmem:s7+$0xFFFFFFF0]  }
0xca: {  	v25 =	vmovc v10;
	v26 =	vmov v11;
	v10 =	vmov v24;
	v11 =	vmov v21  }
.LBB2_17:
0xcb: {  	_ = 	snop  }
0xcc: {  	v15 =	vmax.f32 v15, v4;
	v21 =	vsub.f32 v23, v22  }
0xcd: {  	v12 =	vmax.f32 v12, v5;
	v15 =	vsub.f32 v17, v15;
	v18 =	vmin.f32 v18, v7  }
0xce: {  	v12 =	vsub.f32 v13, v12;
	v16 =	vsub.f32 v18, v16  }
0xcf: {  	v9 =	vadd.f32 v9, v6;
	v13 =	vadd.f32 @p0 $9.999999930e-09, v20;
	v62 =	vmax.f32 v21, $0.0e+00  }
0xd0: {  	v15 =	vmax.f32 v15, $0.0e+00;
	v12 =	vmax.f32 v12, $0.0e+00;
	v16 =	vmax.f32 v16, $0.0e+00  }
0xd1: {  	v14 =	vadd.f32 v14, v6;
	v12 =	vmul.f32 v12, v62;
	v15 =	vmul.f32 v16, v15;
	_ =	sdelay $0x1  }
0xd2: {  	(erf) = vrcp.f32 @p0 v13;
	v9 =	vsub.f32 v9, v12;
	v14 =	vsub.f32 v14, v15  }
0xd3: {  	v16 =	vadd.f32 @p0 $9.999999930e-09, v19  }
0xd4: {  	v9 =	vadd.f32 $9.999999930e-09, v9;
	v63 =	vadd.f32 $9.999999930e-09, v14  }
0xd5: {  	(erf) = vrcp.f32 @p0 v16  }
0xd6: {  	(erf) = vrcp.f32 v63  }
0xd7: {  	(erf) = vrcp.f32 v9  }
0xd8: {  	v9 =	vpop @p1 (erf)  }
0xd9: {  	v9 =	vmul.f32 @p1 v9, v25  }
0xda: {  	v13 =	vpop @p1 (erf)  }
0xdb: {  	v10 =	vpsel p0, v10, v0;
	v14 =	vpop @p0 (erf)  }
0xdc: {  	v13 =	vmul.f32 @p1 v13, v26;
	v10 =	vmul.f32 @p0 v14, v10  }
0xdd: {  	vm3 =	vgt.f32 @p1 v9, $6.999999880e-01;
	v9 =	vmov @p0 v11  }
0xde: {  	vm4 =	vgt.f32 @p1 v13, $6.999999880e-01;
	v11 =	vpop @p0 (erf);
	v9 =	vpsel p0, v9, v0  }
0xdf: {  	vm3 =	vmor @p1 vm3, vm4;
	v9 =	vmul.f32 @p0 v11, v9;
	v11 =	vpop (erf)  }
0xe0: {  	vm4 =	vmmov vm0;
	vm2 =	vmor @p1 vm2, vm3;
	vm3 =	vgt.f32 @p0 v10, $6.999999880e-01;
	v10 =	vpop (erf)  }
0xe1: {  	vm5 =	vgt.f32 @p0 v9, $6.999999880e-01;
	v9 =	vmul.f32 v11, v15;
	v10 =	vmul.f32 v10, v12  }
.Ltmp12:
0xe2: {  	vm4 =	vmmov @p1 vm2;
	vm2 =	vmor @p0 vm3, vm5;
	vm3 =	vmmov vm0;
	(pc) =	sbr.rel .LBB2_18-.Ltmp12, $4  }
0xe3: {  	vm2 =	vmor @p0 vm4, vm2;
	vm14 =	vgt.f32 v9, $6.999999880e-01;
	vm15 =	vgt.f32 v10, $6.999999880e-01  }
0xe4: {  	vm3 =	vmmov @p0 vm2;
	vm2 =	vmor vm14, vm15  }
0xe5: {  	vm2 =	vmor vm3, vm2  }
0xe6: {  	v9 =	vsel vm2, $0x3F800000, v2  }
.LBB2_10:
.Ltmp13:
0xe7: {  	(pc) =	sbr.rel .LBB2_17-.Ltmp13, $2  }
0xe8: {  	_ =	sdelay $0x2  }
0xe9: {  	vm2 =	vmmov vm0  }
.LBB2_12:
.Ltmp14:
0xea: {  	(pc) =	sbr.rel .LBB2_17-.Ltmp14, $2  }
0xeb: {  	_ =	sdelay $0x2  }
0xec: {  	vm2 =	vmmov vm0  }
.LBB2_14:
.Ltmp15:
0xed: {  	(pc) =	sbr.rel .LBB2_17-.Ltmp15, $2  }
0xee: {  	_ =	sdelay $0x2  }
0xef: {  	v25 =	vmovc v10;
	v26 =	vmovc v11;
	v10 =	vmov v24;
	v11 =	vmov v21;
	vm2 =	vmmov vm0  }
.LBB2_20:
0xf0: {  	s3 =	simm.s32 $0x13180  }
0xf1: {  	v5 =	vld [tilespmem:s3+$0x0];
	_ =	sdelay $0x1  }
0xf2: {  	s7 =	simm.s32 $0x0  }
0xf3: {  	v4 =	vmov s22;
	v6 =	vor.u32 s7, v3  }
0xf4: {  	vm2 =	vlt.s32 v6, v4  }
0xf5: {  	v5 =	vnsel vm2, $0x0, v5  }
0xf6: {  	s4 =	simm.s32 $0x13580;
	[tilespmem:s3+$0x0] =	vst v5  }
0xf7: {  	v5 =	vld [tilespmem:s4+$0x0];
	_ =	sdelay $0x4  }
0xf8: {  	v5 =	vnsel vm2, $0x0, v5  }
0xf9: {  	s5 =	simm.s32 $0x13980;
	[tilespmem:s4+$0x0] =	vst v5  }
0xfa: {  	v5 =	vld [tilespmem:s5+$0x0];
	_ =	sdelay $0x4  }
0xfb: {  	v5 =	vnsel vm2, $0x0, v5  }
0xfc: {  	s6 =	simm.s32 $0x13D80;
	[tilespmem:s5+$0x0] =	vst v5  }
0xfd: {  	v5 =	vld [tilespmem:s6+$0x0];
	_ =	sdelay $0x4  }
0xfe: {  	s8 =	simm.s32 $0x13D90;
	s7 =	simm.s32 $0x10;
	v5 =	vnsel vm2, $0x0, v5  }
.LBB2_21:
0xff: {  	[tilespmem:s6+$0x0] =	vst v5;
	s3 =	sadd.s32 $0x10, s3;
	s4 =	sadd.s32 $0x10, s4;
	s5 =	sadd.s32 $0x10, s5  }
0x100: {  	p0 =	sne.s32 s7, $0x3F0;
	s9 =	smov.u32 s7;
	s7 =	sadd.s32 $0x10, s7;
	v5 =	vld [tilespmem:s3+$0x0]  }
0x101: {  	s6 =	smov.u32 s8;
	_ =	sdelay $0x1  }
0x102: {  	v6 =	vor.u32 s9, v3  }
0x103: {  	vm2 =	vlt.s32 v6, v4  }
0x104: {  	v5 =	vnsel vm2, $0x0, v5  }
0x105: {  	[tilespmem:s3+$0x0] =	vst v5  }
0x106: {  	v5 =	vld [tilespmem:s4+$0x0];
	_ =	sdelay $0x4  }
0x107: {  	v5 =	vnsel vm2, $0x0, v5  }
0x108: {  	[tilespmem:s4+$0x0] =	vst v5  }
0x109: {  	v5 =	vld [tilespmem:s5+$0x0];
	_ =	sdelay $0x4  }
0x10a: {  	v5 =	vnsel vm2, $0x0, v5  }
0x10b: {  	[tilespmem:s5+$0x0] =	vst v5  }
0x10c: {  	v5 =	vld [tilespmem:s8+$0x0]  }
.Ltmp16:
0x10d: {  	(pc) =	sbr.rel @p0 .LBB2_21-.Ltmp16, $2  }
0x10e: {  	_ =	sdelay $0x2  }
0x10f: {  	s8 =	sadd.s32 $0x10, s8;
	v5 =	vnsel vm2, $0x0, v5  }
0x110: {  	[tilespmem:s6+$0x0] =	vst v5;
	s3 =	simm.s32 $0x14580  }
0x111: {  	[hbm4b:s11+s2] =	stream.linear.scatter [tilespmem:s3], [sflag:$0x1], $0x400, $0x38;
	[tilespmem:$0x14980] =	vst v63  }
0x112: {  	_ =	swait.ge [sflag:s17], $0x400  }
0x113: {  	[sflag:s17] =	ssyncset.done $0x0  }
0x114: {  	[sflag:s17] =	ssyncadd.s32 $0xFFFFFC00  }
0x115: {  	[hbm4b:s12+s2] =	stream.linear.scatter [tilespmem:s31], [sflag:$0x1], $0x400, $0x38;
	[tilespmem:$0x14980] =	vst v63  }
0x116: {  	_ =	swait.ge [sflag:s17], $0x400  }
0x117: {  	[sflag:s17] =	ssyncset.done $0x0  }
0x118: {  	[sflag:s17] =	ssyncadd.s32 $0xFFFFFC00  }
0x119: {  	[hbm4b:s13+s2] =	stream.linear.scatter [tilespmem:s1], [sflag:$0x1], $0x400, $0x38;
	[tilespmem:$0x14980] =	vst v63  }
0x11a: {  	_ =	swait.ge [sflag:s17], $0x400  }
0x11b: {  	[sflag:s17] =	ssyncset.done $0x0  }
0x11c: {  	[sflag:s17] =	ssyncadd.s32 $0xFFFFFC00  }
0x11d: {  	[hbm4b:s14+s2] =	stream.linear.scatter [tilespmem:s0], [sflag:$0x1], $0x400, $0x38;
	[tilespmem:$0x14980] =	vst v63  }
0x11e: {  	s21 =	sadd.s32 $0x1, s21;
	_ =	swait.ge [sflag:s17], $0x400  }
0x11f: {  	p0 =	sne.s32 s21, s16;
	[sflag:s17] =	ssyncset.done $0x0  }
.Ltmp17:
0x120: {  	[sflag:s17] =	ssyncadd.s32 $0xFFFFFC00;
	(pc) =	sbr.rel @p0 .LBB2_1-.Ltmp17, $4  }
0x121: {  	[hbm4b:s15+s2] =	stream.linear.scatter [tilespmem:s18], [sflag:$0x1], $0x400, $0x38;
	[tilespmem:$0x14980] =	vst v63  }
0x122: {  	_ =	swait.ge [sflag:s17], $0x400  }
0x123: {  	[sflag:s17] =	ssyncset.done $0x0  }
0x124: {  	[sflag:s17] =	ssyncadd.s32 $0xFFFFFC00  }
0x125: {  	_ =	sfence.sel $0x180000  }
0x126: {  	[bflag:$0x0] =	sbarrier.arrive $0xFFFF  }
0x127: {  	_ =	strace $0x9000004D  }
0x128: {  	s0 =	stileid.u32;
	[bflag:$0x2] =	sbarrier.arrive $0xFFFF  }
0x129: {  	p0 =	sne.s32 s0, $0x0;
	s0 =	rddreg [dreg:$0x1]  }
0x12a: {  	s0 =	sadd.s32 @!p0 $0x100000, s0  }
0x12b: {  	[sflag:s0] =	ssyncadd.tile.s32 @!p0 $0x1;
	_ =	shalt  }
.Lfunc_end2:
_tile_overlayer_lowered:
.L_overlay_start_2:
0x12c: {  	(tag) =	ssettag $0x2  }
0x12d: {  	s0 =	rddreg [dreg:$0x0];
	s2 =	stileid.u32  }
0x12e: {  	s1 =	rddreg [dreg:$0x1];
	p0 =	sne.s32 s2, $0x0  }
0x12f: {  	s3 =	rddreg [dreg:$0x2];
	[bflag:$0x3] =	sbarrier.arrive $0xFFFF;
	s2 =	simm.s32 @!p0 $0x1C01  }
0x130: {  	[timem:s3], [sflag:s2] =	dma.local @!p0 [hbm:s0], s1  }
0x131: {  	s0 =	simm.s32 @!p0 $0x1  }
0x132: {  	_ =	swait.ge @!p0 [sflag:s0], s1  }
0x133: {  	s1 =	ssub.s32 @!p0 $0x0, s1;
	[sflag:s0] =	ssyncset.done @!p0 $0x0  }
0x134: {  	[sflag:s0] =	ssyncadd.s32 @!p0 s1  }
0x135: {  	[bflag:$0x3] =	sbarrier.arrive $0xFFFF  }
0x136: {  	_ =	shalt  }

</sc_bundles>
